<compile_context>
chip_gen: v7x
topology: tpu7x:2x2x1
jax: 0.10.2.dev20260603
libtpu: 0.0.44.dev20260713+nightly
codegen_flags: <defaults>
</compile_context>

<pallas_src>
import jax
import jax.numpy as jnp
from jax import lax
from jax.experimental import pallas as pl
from jax.experimental.pallas import tpu as pltpu
from jax.experimental.pallas import tpu_sc as plsc

N, E, D, DOM, MEM = 10000, 160000, 256, 4, 10
K = DOM * MEM
KP = 48
NC, NS, LANES = 2, 16, 16
NW = NC * NS
N_PAD = 10240
EC = 128
NCHUNK = 40
E_PAD = NW * NCHUNK * EC
ROWS_S = N_PAD // NS
TC_ROWS = 1024
NB = 4

_mesh = plsc.VectorSubcoreMesh(core_axis_name="c", subcore_axis_name="s",
                               num_cores=NC, num_subcores=NS)


def _sc_deg_body(dst_hbm, deg_out, dst_v, ones_v, cbuf, acc):
    cid = lax.axis_index("c")
    sid = lax.axis_index("s")
    wid = sid * NC + cid

    ones16 = jnp.ones((LANES,), jnp.float32)
    zero16 = jnp.zeros((LANES,), jnp.float32)

    def fill_ones(i, carry):
        ones_v[i] = ones16
        return carry

    lax.fori_loop(0, EC, fill_ones, 0)

    def fill_zero(i, carry):
        cbuf[i] = zero16
        return carry

    lax.fori_loop(0, ROWS_S, fill_zero, 0)

    pltpu.sync_copy(cbuf, acc.at[pl.ds(sid * ROWS_S, ROWS_S)])
    plsc.subcore_barrier()

    pltpu.sync_copy(dst_hbm.at[wid], dst_v)

    def step(j, carry):
        pltpu.sync_copy(ones_v, acc.at[dst_v.at[j]], add=True)
        return carry

    lax.fori_loop(0, NCHUNK, step, 0)
    plsc.subcore_barrier()

    pltpu.sync_copy(acc.at[pl.ds(sid * ROWS_S, ROWS_S)], cbuf)
    pltpu.sync_copy(cbuf, deg_out.at[cid, pl.ds(sid * ROWS_S, ROWS_S)])


_sc_deg = pl.kernel(
    _sc_deg_body,
    out_type=jax.ShapeDtypeStruct((NC, N_PAD, LANES), jnp.float32),
    mesh=_mesh,
    scratch_types=[
        pltpu.VMEM((NCHUNK, EC), jnp.int32),
        pltpu.VMEM((EC, LANES), jnp.float32),
        pltpu.VMEM((ROWS_S, LANES), jnp.float32),
        pltpu.VMEM_SHARED((N_PAD, LANES), jnp.float32),
    ],
    compiler_params=pltpu.CompilerParams(use_tc_tiling_on_sc=False),
)


def _sc_agg_body(src_hbm, dst_hbm, z_hbm, y_out, src_v, dst_v, gb0, gb1, gb2,
                 gb3, zbuf, acc, zs, sem0, sem1, sem2, sem3):
    cid = lax.axis_index("c")
    sid = lax.axis_index("s")
    wid = sid * NC + cid
    gbufs = (gb0, gb1, gb2, gb3)
    sems = (sem0, sem1, sem2, sem3)

    zero16 = jnp.zeros((LANES,), jnp.float32)

    def fill_zero(i, carry):
        zbuf[i, pl.ds(0, LANES)] = zero16
        zbuf[i, pl.ds(LANES, LANES)] = zero16
        zbuf[i, pl.ds(2 * LANES, LANES)] = zero16
        return carry

    lax.fori_loop(0, ROWS_S, fill_zero, 0)

    pltpu.sync_copy(zbuf, acc.at[pl.ds(sid * ROWS_S, ROWS_S)])

    pltpu.sync_copy(z_hbm.at[pl.ds(sid * ROWS_S, ROWS_S)], zbuf)
    pltpu.sync_copy(zbuf, zs.at[pl.ds(sid * ROWS_S, ROWS_S)])

    pltpu.sync_copy(src_hbm.at[wid], src_v)
    pltpu.sync_copy(dst_hbm.at[wid], dst_v)
    plsc.subcore_barrier()

    for b in range(NB):
        pltpu.async_copy(zs.at[src_v.at[b]], gbufs[b], sems[b])

    def step(g, carry):
        for b in range(NB):
            j = NB * g + b
            pltpu.make_async_copy(zs.at[src_v.at[j]], gbufs[b],
                                  sems[b]).wait()
            pltpu.sync_copy(gbufs[b], acc.at[dst_v.at[j]], add=True)
            nxt = j + NB

            @pl.when(nxt < NCHUNK)
            def _():
                pltpu.async_copy(zs.at[src_v.at[nxt]], gbufs[b], sems[b])

        return carry

    lax.fori_loop(0, NCHUNK // NB, step, 0)
    plsc.subcore_barrier()

    pltpu.sync_copy(acc.at[pl.ds(sid * ROWS_S, ROWS_S)], zbuf)
    pltpu.sync_copy(zbuf, y_out.at[cid, pl.ds(sid * ROWS_S, ROWS_S)])


_sc_agg = pl.kernel(
    _sc_agg_body,
    out_type=jax.ShapeDtypeStruct((NC, N_PAD, KP), jnp.float32),
    mesh=_mesh,
    scratch_types=[
        pltpu.VMEM((NCHUNK, EC), jnp.int32),
        pltpu.VMEM((NCHUNK, EC), jnp.int32),
        pltpu.VMEM((EC, KP), jnp.float32),
        pltpu.VMEM((EC, KP), jnp.float32),
        pltpu.VMEM((EC, KP), jnp.float32),
        pltpu.VMEM((EC, KP), jnp.float32),
        pltpu.VMEM((ROWS_S, KP), jnp.float32),
        pltpu.VMEM_SHARED((N_PAD, KP), jnp.float32),
        pltpu.VMEM_SHARED((N_PAD, KP), jnp.float32),
        pltpu.SemaphoreType.DMA,
        pltpu.SemaphoreType.DMA,
        pltpu.SemaphoreType.DMA,
        pltpu.SemaphoreType.DMA,
    ],
    compiler_params=pltpu.CompilerParams(use_tc_tiling_on_sc=False),
)


def _tc_dense_body(f_ref, w_ref, m_ref, dp_ref, z_ref, t_ref):
    f = f_ref[...]
    nrm = jnp.sqrt(jnp.sum(f * f, axis=1, keepdims=True))
    feat = f / (nrm + 1e-12)
    h = jnp.dot(feat, w_ref[...], preferred_element_type=jnp.float32)
    hm = jnp.dot(h, m_ref[...], preferred_element_type=jnp.float32)
    tm = jnp.dot(feat, m_ref[...], preferred_element_type=jnp.float32)
    dp = dp_ref[...]
    deg = 1.0 + dp[0, :, 0:1] + dp[1, :, 0:1]
    dinv = lax.rsqrt(deg)
    z_ref[...] = dinv * hm
    lanes = lax.broadcasted_iota(jnp.int32, (TC_ROWS, KP), 1)
    t_ref[...] = jnp.where(lanes == K, dinv, tm)


_tc_dense = pl.pallas_call(
    _tc_dense_body,
    grid=(N_PAD // TC_ROWS,),
    in_specs=[
        pl.BlockSpec((TC_ROWS, D), lambda i: (i, 0)),
        pl.BlockSpec((D, D), lambda i: (0, 0)),
        pl.BlockSpec((D, KP), lambda i: (0, 0)),
        pl.BlockSpec((NC, TC_ROWS, LANES), lambda i: (0, i, 0)),
    ],
    out_specs=[
        pl.BlockSpec((TC_ROWS, KP), lambda i: (i, 0)),
        pl.BlockSpec((TC_ROWS, KP), lambda i: (i, 0)),
    ],
    out_shape=[
        jax.ShapeDtypeStruct((N_PAD, KP), jnp.float32),
        jax.ShapeDtypeStruct((N_PAD, KP), jnp.float32),
    ],
)


def _tc_final_body(yp_ref, z_ref, t_ref, b_ref, m_ref, o_ref):
    rows = lax.broadcasted_iota(jnp.int32, (KP, DOM), 0)
    cols = lax.broadcasted_iota(jnp.int32, (KP, DOM), 1)
    seg = jnp.where((rows // MEM == cols) & (rows < K), 1.0, 0.0)
    rows2 = lax.broadcasted_iota(jnp.int32, (DOM, KP), 0)
    cols2 = lax.broadcasted_iota(jnp.int32, (DOM, KP), 1)
    segt = jnp.where((cols2 // MEM == rows2) & (cols2 < K), 1.0, 0.0)
    mask = (lax.broadcasted_iota(jnp.int32, (1, KP), 1) < K).astype(
        jnp.float32)
    yp = yp_ref[...]
    y = yp[0] + yp[1] + z_ref[...]
    t = t_ref[...]
    dinv = t[:, K:K + 1]
    bm = jnp.dot(b_ref[...], m_ref[...], preferred_element_type=jnp.float32)
    s = dinv * y + bm
    mx4 = jnp.concatenate(
        [jnp.max(s[:, d * MEM:(d + 1) * MEM], axis=1, keepdims=True)
         for d in range(DOM)], axis=1)
    sub = s - jnp.dot(mx4, segt, preferred_element_type=jnp.float32)
    e = jnp.exp(sub) * mask
    den4 = jnp.dot(e, seg, preferred_element_type=jnp.float32)
    num4 = jnp.dot(e * t, seg, preferred_element_type=jnp.float32)
    lg = num4 / den4
    mm = jnp.max(lg, axis=1, keepdims=True)
    ee = jnp.exp(lg - mm)
    o_ref[...] = ee / jnp.sum(ee, axis=1, keepdims=True)


_tc_final = pl.pallas_call(
    _tc_final_body,
    grid=(N_PAD // TC_ROWS,),
    in_specs=[
        pl.BlockSpec((NC, TC_ROWS, KP), lambda i: (0, i, 0)),
        pl.BlockSpec((TC_ROWS, KP), lambda i: (i, 0)),
        pl.BlockSpec((TC_ROWS, KP), lambda i: (i, 0)),
        pl.BlockSpec((1, D), lambda i: (0, 0)),
        pl.BlockSpec((D, KP), lambda i: (0, 0)),
    ],
    out_specs=pl.BlockSpec((TC_ROWS, DOM), lambda i: (i, 0)),
    out_shape=jax.ShapeDtypeStruct((N_PAD, DOM), jnp.float32),
)


def kernel(feature, category, edge_index, W, b, domain_memory):
    del category
    ei = edge_index.astype(jnp.int32)
    pad = jnp.full((E_PAD - E,), N, jnp.int32)
    src3 = jnp.concatenate([ei[0], pad]).reshape(NW, NCHUNK, EC)
    dst3 = jnp.concatenate([ei[1], pad]).reshape(NW, NCHUNK, EC)

    feature_pad = jnp.pad(feature, ((0, N_PAD - N), (0, 0)))
    mflat = domain_memory.reshape(K, D)
    mpad = jnp.zeros((D, KP), jnp.float32).at[:, :K].set(mflat.T)
    b_mat = b.reshape(1, D)

    deg_parts = _sc_deg(dst3)
    z, t = _tc_dense(feature_pad, W, mpad, deg_parts)
    y_parts = _sc_agg(src3, dst3, z)
    out_full = _tc_final(y_parts, z, t, b_mat, mpad)
    return out_full[:N, None, :]

# --- scband reference (transcript-rebuilt; emitter-appended) ---
"""Pipeline reference for scband-gcnmemory-network-34608846471648 (READ-ONLY COPY).

The authoritative reference and input builder live on the scoring server;
editing this copy changes nothing except your own understanding.
"""

import jax, jax.numpy as jnp
import numpy as np

N, E, D_IN, D_EMB, DOM, MEM = 10000, 160000, 256, 256, 4, 10


def gcn_conv(x, edge_index, W, b):
    n = x.shape[0]
    loop = jnp.arange(n, dtype=edge_index.dtype)
    src = jnp.concatenate([edge_index[0], loop])
    dst = jnp.concatenate([edge_index[1], loop])
    deg = jnp.zeros((n,), dtype=x.dtype).at[dst].add(1.0)
    dinv = jax.lax.rsqrt(jnp.maximum(deg, 1.0))
    coef = dinv[src] * dinv[dst]
    h = x @ W
    msg = h[src] * coef[:, None]
    out = jnp.zeros((n, W.shape[1]), dtype=x.dtype).at[dst].add(msg)
    return out + b


def setup_inputs(seed: int = 0):
    key = jax.random.key(seed)
    ks = jax.random.split(key, 6)
    feature = jax.random.normal(ks[0], (N, D_IN), dtype=jnp.float32)
    category = jax.random.randint(ks[1], (N,), 0, DOM)
    edge_index = jax.random.randint(ks[2], (2, E), 0, N)
    W = jax.random.normal(ks[3], (D_IN, D_EMB), dtype=jnp.float32) * (1.0 / np.sqrt(D_IN))
    b = jnp.zeros((D_EMB,), dtype=jnp.float32)
    domain_memory = jax.random.normal(ks[4], (DOM, MEM, D_EMB), dtype=jnp.float32)
    return {"feature": feature, "category": category, "edge_index": edge_index,
            "W": W, "b": b, "domain_memory": domain_memory}


def reference(feature, category, edge_index, W, b, domain_memory):
    # norm(feature): row-wise L2 normalization
    feat = feature / (jnp.linalg.norm(feature, axis=1, keepdims=True) + 1e-12)
    # gcn_output is identical across the domain loop in the original code
    gcn_out = gcn_conv(feat, edge_index, W, b)

    def per_domain(M):
        att = jax.nn.softmax(gcn_out @ M.T, axis=1)
        return att @ M

    sep = jax.vmap(per_domain)(domain_memory)      # [DOM, N, D_EMB]
    sep = jnp.transpose(sep, (1, 0, 2))            # [N, DOM, D_EMB]
    domain_att = jnp.einsum('nde,ne->nd', sep, feat)  # bmm(sep, feat[:, :, None]).squeeze()
    domain_att = jax.nn.softmax(domain_att, axis=1)[:, None, :]  # [N, 1, DOM]
    return domain_att

if __name__ == "__main__":
    import jax
    _d = setup_inputs()
    print(jax.jit(kernel)(*tuple(_d.values())))

</pallas_src>

<mosaic_0001>
#map = affine_map<(d0, d1) -> (0, 0, 0)>
#map1 = affine_map<(d0, d1) -> (0, 0)>
module attributes {stable_mosaic.version = 14 : i64} {
  func.func @_sc_agg_body(%arg0: i32, %arg1: i32, %arg2: memref<32x40x128xi32, #tpu.memory_space<hbm>>, %arg3: memref<32x40x128xi32, #tpu.memory_space<hbm>>, %arg4: memref<10240x48xf32, #tpu.memory_space<hbm>>, %arg5: memref<2x10240x48xf32, #tpu.memory_space<hbm>>, %arg6: memref<40x128xi32, #tpu.memory_space<vmem>>, %arg7: memref<40x128xi32, #tpu.memory_space<vmem>>, %arg8: memref<128x48xf32, #tpu.memory_space<vmem>>, %arg9: memref<128x48xf32, #tpu.memory_space<vmem>>, %arg10: memref<128x48xf32, #tpu.memory_space<vmem>>, %arg11: memref<128x48xf32, #tpu.memory_space<vmem>>, %arg12: memref<640x48xf32, #tpu.memory_space<vmem>>, %arg13: memref<10240x48xf32, #tpu.memory_space<vmem_shared>>, %arg14: memref<10240x48xf32, #tpu.memory_space<vmem_shared>>, %arg15: memref<!tpu.dma_semaphore, #tpu.memory_space<semaphore_mem>>, %arg16: memref<!tpu.dma_semaphore, #tpu.memory_space<semaphore_mem>>, %arg17: memref<!tpu.dma_semaphore, #tpu.memory_space<semaphore_mem>>, %arg18: memref<!tpu.dma_semaphore, #tpu.memory_space<semaphore_mem>>) attributes {dimension_semantics = [#tpu.dimension_semantics<core_parallel>, #tpu.dimension_semantics<subcore_parallel>], iteration_bounds = array<i64: 2, 16>, scalar_prefetch = 0 : i64, scratch_operands = 13 : i64, tpu.core_type = #tpu.core_type<sc_vector_subcore>, window_params = [{transform_indices = #map}, {transform_indices = #map}, {transform_indices = #map1}, {transform_indices = #map}]} {
    %mul3A = arith.constant 2 : i32
    %mul3A_0 = arith.muli %arg1, %mul3A : i32
    %add3A = arith.addi %mul3A_0, %arg0 : i32
    %broadcast_in_dim3A = arith.constant 0.000000e+00 : f32
    %broadcast_in_dim3A_1 = vector.broadcast %broadcast_in_dim3A : f32 to vector<16xf32>
    %scan3A = arith.constant 0 : i32
    %scan3A_2 = arith.constant 0 : i32
    %scan3A_3 = arith.constant 640 : i32
    %scan3A_4 = arith.addi %scan3A_2, %scan3A_3 : i32
    %scan3A_5 = arith.constant 1 : i32
    scf.for %scan3A_51 = %scan3A_2 to %scan3A_4 step %scan3A_5  : i32 {
      %swap3A = arith.index_cast %scan3A_51 : i32 to index
      %swap3A_52 = arith.constant 0 : index
      %swap3A_53 = tpu.vector_load %arg12[%swap3A, %swap3A_52] {strides = array<i32>} : memref<640x48xf32, #tpu.memory_space<vmem>>, vector<1x16xf32>,
      %swap3A_54 = vector.shape_cast %swap3A_53 : vector<1x16xf32> to vector<16xf32>
      %swap3A_55 = vector.shape_cast %broadcast_in_dim3A_1 : vector<16xf32> to vector<1x16xf32>
      tpu.vector_store %arg12[%swap3A, %swap3A_52], %swap3A_55 {strides = array<i32>} : memref<640x48xf32, #tpu.memory_space<vmem>>, vector<1x16xf32>,
      %swap3A_56 = arith.index_cast %scan3A_51 : i32 to index
      %swap3A_57 = arith.constant 16 : index
      %swap3A_58 = tpu.vector_load %arg12[%swap3A_56, %swap3A_57] {strides = array<i32>} : memref<640x48xf32, #tpu.memory_space<vmem>>, vector<1x16xf32>,
      %swap3A_59 = vector.shape_cast %swap3A_58 : vector<1x16xf32> to vector<16xf32>
      %swap3A_60 = vector.shape_cast %broadcast_in_dim3A_1 : vector<16xf32> to vector<1x16xf32>
      tpu.vector_store %arg12[%swap3A_56, %swap3A_57], %swap3A_60 {strides = array<i32>} : memref<640x48xf32, #tpu.memory_space<vmem>>, vector<1x16xf32>,
      %swap3A_61 = arith.index_cast %scan3A_51 : i32 to index
      %swap3A_62 = arith.constant 32 : index
      %swap3A_63 = tpu.vector_load %arg12[%swap3A_61, %swap3A_62] {strides = array<i32>} : memref<640x48xf32, #tpu.memory_space<vmem>>, vector<1x16xf32>,
      %swap3A_64 = vector.shape_cast %swap3A_63 : vector<1x16xf32> to vector<16xf32>
      %swap3A_65 = vector.shape_cast %broadcast_in_dim3A_1 : vector<16xf32> to vector<1x16xf32>
      tpu.vector_store %arg12[%swap3A_61, %swap3A_62], %swap3A_65 {strides = array<i32>} : memref<640x48xf32, #tpu.memory_space<vmem>>, vector<1x16xf32>,
    }
    %scan3A_6 = arith.constant 640 : i32
    %mul3A_7 = arith.constant 640 : i32
    %mul3A_8 = arith.muli %arg1, %mul3A_7 : i32
    "tpu.region"() ({
      %run_scoped3A = tpu.sem_alloc : memref<!tpu.dma_semaphore, #tpu.memory_space<semaphore_mem>>
      %dma_start3A_51 = arith.constant 0 : i32
      %dma_start3A_52 = tpu.memref_slice %arg13[%mul3A_8, %dma_start3A_51] : memref<10240x48xf32, #tpu.memory_space<vmem_shared>> -> memref<640x48xf32, #tpu.memory_space<vmem_shared>>
      %dma_start3A_53 = arith.constant 0 : i32
      %dma_start3A_54 = tpu.memref_slice %arg13[%mul3A_8, %dma_start3A_53] : memref<10240x48xf32, #tpu.memory_space<vmem_shared>> -> memref<640x48xf32, #tpu.memory_space<vmem_shared>>
      tpu.enqueue_dma source(%arg12 : memref<640x48xf32, #tpu.memory_space<vmem>>) target(%dma_start3A_54 : memref<640x48xf32, #tpu.memory_space<vmem_shared>>) target_semaphore(%run_scoped3A : memref<!tpu.dma_semaphore, #tpu.memory_space<semaphore_mem>>)
      %dma_wait3A = arith.constant 0 : i32
      %dma_wait3A_55 = tpu.memref_slice %arg13[%mul3A_8, %dma_wait3A] : memref<10240x48xf32, #tpu.memory_space<vmem_shared>> -> memref<640x48xf32, #tpu.memory_space<vmem_shared>>
      %dma_wait3A_56 = arith.constant 0 : i32
      %dma_wait3A_57 = tpu.memref_slice %arg13[%mul3A_8, %dma_wait3A_56] : memref<10240x48xf32, #tpu.memory_space<vmem_shared>> -> memref<640x48xf32, #tpu.memory_space<vmem_shared>>
      tpu.wait_dma2 semaphore(%run_scoped3A : memref<!tpu.dma_semaphore, #tpu.memory_space<semaphore_mem>>) src(%arg12 : memref<640x48xf32, #tpu.memory_space<vmem>>) dst(%dma_wait3A_57 : memref<640x48xf32, #tpu.memory_space<vmem_shared>>)
      tpu.yield
    }) : () -> ()
    %mul3A_9 = arith.constant 640 : i32
    %mul3A_10 = arith.muli %arg1, %mul3A_9 : i32
    "tpu.region"() ({
      %run_scoped3A = tpu.sem_alloc : memref<!tpu.dma_semaphore, #tpu.memory_space<semaphore_mem>>
      %dma_start3A_51 = arith.constant 0 : i32
      %dma_start3A_52 = tpu.memref_slice %arg4[%mul3A_10, %dma_start3A_51] : memref<10240x48xf32, #tpu.memory_space<hbm>> -> memref<640x48xf32, #tpu.memory_space<hbm>>
      %dma_start3A_53 = arith.constant 0 : i32
      %dma_start3A_54 = tpu.memref_slice %arg4[%mul3A_10, %dma_start3A_53] : memref<10240x48xf32, #tpu.memory_space<hbm>> -> memref<640x48xf32, #tpu.memory_space<hbm>>
      tpu.enqueue_dma source(%dma_start3A_54 : memref<640x48xf32, #tpu.memory_space<hbm>>) target(%arg12 : memref<640x48xf32, #tpu.memory_space<vmem>>) target_semaphore(%run_scoped3A : memref<!tpu.dma_semaphore, #tpu.memory_space<semaphore_mem>>)
      %dma_wait3A = arith.constant 0 : i32
      %dma_wait3A_55 = tpu.memref_slice %arg4[%mul3A_10, %dma_wait3A] : memref<10240x48xf32, #tpu.memory_space<hbm>> -> memref<640x48xf32, #tpu.memory_space<hbm>>
      %dma_wait3A_56 = arith.constant 0 : i32
      %dma_wait3A_57 = tpu.memref_slice %arg4[%mul3A_10, %dma_wait3A_56] : memref<10240x48xf32, #tpu.memory_space<hbm>> -> memref<640x48xf32, #tpu.memory_space<hbm>>
      tpu.wait_dma2 semaphore(%run_scoped3A : memref<!tpu.dma_semaphore, #tpu.memory_space<semaphore_mem>>) src(%dma_wait3A_57 : memref<640x48xf32, #tpu.memory_space<hbm>>) dst(%arg12 : memref<640x48xf32, #tpu.memory_space<vmem>>)
      tpu.yield
    }) : () -> ()
    %mul3A_11 = arith.constant 640 : i32
    %mul3A_12 = arith.muli %arg1, %mul3A_11 : i32
    "tpu.region"() ({
      %run_scoped3A = tpu.sem_alloc : memref<!tpu.dma_semaphore, #tpu.memory_space<semaphore_mem>>
      %dma_start3A_51 = arith.constant 0 : i32
      %dma_start3A_52 = tpu.memref_slice %arg14[%mul3A_12, %dma_start3A_51] : memref<10240x48xf32, #tpu.memory_space<vmem_shared>> -> memref<640x48xf32, #tpu.memory_space<vmem_shared>>
      %dma_start3A_53 = arith.constant 0 : i32
      %dma_start3A_54 = tpu.memref_slice %arg14[%mul3A_12, %dma_start3A_53] : memref<10240x48xf32, #tpu.memory_space<vmem_shared>> -> memref<640x48xf32, #tpu.memory_space<vmem_shared>>
      tpu.enqueue_dma source(%arg12 : memref<640x48xf32, #tpu.memory_space<vmem>>) target(%dma_start3A_54 : memref<640x48xf32, #tpu.memory_space<vmem_shared>>) target_semaphore(%run_scoped3A : memref<!tpu.dma_semaphore, #tpu.memory_space<semaphore_mem>>)
      %dma_wait3A = arith.constant 0 : i32
      %dma_wait3A_55 = tpu.memref_slice %arg14[%mul3A_12, %dma_wait3A] : memref<10240x48xf32, #tpu.memory_space<vmem_shared>> -> memref<640x48xf32, #tpu.memory_space<vmem_shared>>
      %dma_wait3A_56 = arith.constant 0 : i32
      %dma_wait3A_57 = tpu.memref_slice %arg14[%mul3A_12, %dma_wait3A_56] : memref<10240x48xf32, #tpu.memory_space<vmem_shared>> -> memref<640x48xf32, #tpu.memory_space<vmem_shared>>
      tpu.wait_dma2 semaphore(%run_scoped3A : memref<!tpu.dma_semaphore, #tpu.memory_space<semaphore_mem>>) src(%arg12 : memref<640x48xf32, #tpu.memory_space<vmem>>) dst(%dma_wait3A_57 : memref<640x48xf32, #tpu.memory_space<vmem_shared>>)
      tpu.yield
    }) : () -> ()
    "tpu.region"() ({
      %run_scoped3A = tpu.sem_alloc : memref<!tpu.dma_semaphore, #tpu.memory_space<semaphore_mem>>
      %dma_start3A_51 = arith.constant 0 : i32
      %dma_start3A_52 = arith.constant 0 : i32
      %dma_start3A_53 = tpu.memref_slice %arg2[%add3A, %dma_start3A_51, %dma_start3A_52] : memref<32x40x128xi32, #tpu.memory_space<hbm>> -> memref<1x40x128xi32, #tpu.memory_space<hbm>>
      %dma_start3A_54 = tpu.memref_squeeze %dma_start3A_53 : memref<1x40x128xi32, #tpu.memory_space<hbm>> -> memref<40x128xi32, #tpu.memory_space<hbm>>
      %dma_start3A_55 = arith.constant 0 : i32
      %dma_start3A_56 = arith.constant 0 : i32
      %dma_start3A_57 = tpu.memref_slice %arg2[%add3A, %dma_start3A_55, %dma_start3A_56] : memref<32x40x128xi32, #tpu.memory_space<hbm>> -> memref<1x40x128xi32, #tpu.memory_space<hbm>>
      %dma_start3A_58 = tpu.memref_squeeze %dma_start3A_57 : memref<1x40x128xi32, #tpu.memory_space<hbm>> -> memref<40x128xi32, #tpu.memory_space<hbm>>
      tpu.enqueue_dma source(%dma_start3A_58 : memref<40x128xi32, #tpu.memory_space<hbm>>) target(%arg6 : memref<40x128xi32, #tpu.memory_space<vmem>>) target_semaphore(%run_scoped3A : memref<!tpu.dma_semaphore, #tpu.memory_space<semaphore_mem>>)
      %dma_wait3A = arith.constant 0 : i32
      %dma_wait3A_59 = arith.constant 0 : i32
      %dma_wait3A_60 = tpu.memref_slice %arg2[%add3A, %dma_wait3A, %dma_wait3A_59] : memref<32x40x128xi32, #tpu.memory_space<hbm>> -> memref<1x40x128xi32, #tpu.memory_space<hbm>>
      %dma_wait3A_61 = tpu.memref_squeeze %dma_wait3A_60 : memref<1x40x128xi32, #tpu.memory_space<hbm>> -> memref<40x128xi32, #tpu.memory_space<hbm>>
      %dma_wait3A_62 = arith.constant 0 : i32
      %dma_wait3A_63 = arith.constant 0 : i32
      %dma_wait3A_64 = tpu.memref_slice %arg2[%add3A, %dma_wait3A_62, %dma_wait3A_63] : memref<32x40x128xi32, #tpu.memory_space<hbm>> -> memref<1x40x128xi32, #tpu.memory_space<hbm>>
      %dma_wait3A_65 = tpu.memref_squeeze %dma_wait3A_64 : memref<1x40x128xi32, #tpu.memory_space<hbm>> -> memref<40x128xi32, #tpu.memory_space<hbm>>
      tpu.wait_dma2 semaphore(%run_scoped3A : memref<!tpu.dma_semaphore, #tpu.memory_space<semaphore_mem>>) src(%dma_wait3A_65 : memref<40x128xi32, #tpu.memory_space<hbm>>) dst(%arg6 : memref<40x128xi32, #tpu.memory_space<vmem>>)
      tpu.yield
    }) : () -> ()
    "tpu.region"() ({
      %run_scoped3A = tpu.sem_alloc : memref<!tpu.dma_semaphore, #tpu.memory_space<semaphore_mem>>
      %dma_start3A_51 = arith.constant 0 : i32
      %dma_start3A_52 = arith.constant 0 : i32
      %dma_start3A_53 = tpu.memref_slice %arg3[%add3A, %dma_start3A_51, %dma_start3A_52] : memref<32x40x128xi32, #tpu.memory_space<hbm>> -> memref<1x40x128xi32, #tpu.memory_space<hbm>>
      %dma_start3A_54 = tpu.memref_squeeze %dma_start3A_53 : memref<1x40x128xi32, #tpu.memory_space<hbm>> -> memref<40x128xi32, #tpu.memory_space<hbm>>
      %dma_start3A_55 = arith.constant 0 : i32
      %dma_start3A_56 = arith.constant 0 : i32
      %dma_start3A_57 = tpu.memref_slice %arg3[%add3A, %dma_start3A_55, %dma_start3A_56] : memref<32x40x128xi32, #tpu.memory_space<hbm>> -> memref<1x40x128xi32, #tpu.memory_space<hbm>>
      %dma_start3A_58 = tpu.memref_squeeze %dma_start3A_57 : memref<1x40x128xi32, #tpu.memory_space<hbm>> -> memref<40x128xi32, #tpu.memory_space<hbm>>
      tpu.enqueue_dma source(%dma_start3A_58 : memref<40x128xi32, #tpu.memory_space<hbm>>) target(%arg7 : memref<40x128xi32, #tpu.memory_space<vmem>>) target_semaphore(%run_scoped3A : memref<!tpu.dma_semaphore, #tpu.memory_space<semaphore_mem>>)
      %dma_wait3A = arith.constant 0 : i32
      %dma_wait3A_59 = arith.constant 0 : i32
      %dma_wait3A_60 = tpu.memref_slice %arg3[%add3A, %dma_wait3A, %dma_wait3A_59] : memref<32x40x128xi32, #tpu.memory_space<hbm>> -> memref<1x40x128xi32, #tpu.memory_space<hbm>>
      %dma_wait3A_61 = tpu.memref_squeeze %dma_wait3A_60 : memref<1x40x128xi32, #tpu.memory_space<hbm>> -> memref<40x128xi32, #tpu.memory_space<hbm>>
      %dma_wait3A_62 = arith.constant 0 : i32
      %dma_wait3A_63 = arith.constant 0 : i32
      %dma_wait3A_64 = tpu.memref_slice %arg3[%add3A, %dma_wait3A_62, %dma_wait3A_63] : memref<32x40x128xi32, #tpu.memory_space<hbm>> -> memref<1x40x128xi32, #tpu.memory_space<hbm>>
      %dma_wait3A_65 = tpu.memref_squeeze %dma_wait3A_64 : memref<1x40x128xi32, #tpu.memory_space<hbm>> -> memref<40x128xi32, #tpu.memory_space<hbm>>
      tpu.wait_dma2 semaphore(%run_scoped3A : memref<!tpu.dma_semaphore, #tpu.memory_space<semaphore_mem>>) src(%dma_wait3A_65 : memref<40x128xi32, #tpu.memory_space<hbm>>) dst(%arg7 : memref<40x128xi32, #tpu.memory_space<vmem>>)
      tpu.yield
    }) : () -> ()
    %barrier3A = arith.constant 0 : index
    tpu.barrier barrier_id(%barrier3A)
    %dma_start3A = arith.constant 0 : i32
    %dma_start3A_13 = arith.constant 0 : i32
    %dma_start3A_14 = tpu.memref_slice %arg6[%dma_start3A, %dma_start3A_13] : memref<40x128xi32, #tpu.memory_space<vmem>> -> memref<1x128xi32, #tpu.memory_space<vmem>>
    %dma_start3A_15 = tpu.memref_squeeze %dma_start3A_14 : memref<1x128xi32, #tpu.memory_space<vmem>> -> memref<128xi32, #tpu.memory_space<vmem>>
    %dma_start3A_16 = arith.constant 0 : i32
    %dma_start3A_17 = arith.constant 0 : i32
    %dma_start3A_18 = tpu.memref_slice %arg14[%dma_start3A_16, %dma_start3A_17] : memref<10240x48xf32, #tpu.memory_space<vmem_shared>> -> memref<10240x48xf32, #tpu.memory_space<vmem_shared>>
    tpu.enqueue_indirect_dma source(%dma_start3A_18 : memref<10240x48xf32, #tpu.memory_space<vmem_shared>>) target(%arg8 : memref<128x48xf32, #tpu.memory_space<vmem>>) offsets(%dma_start3A_15 : memref<128xi32, #tpu.memory_space<vmem>>) semaphore(%arg15 : memref<!tpu.dma_semaphore, #tpu.memory_space<semaphore_mem>>)
    %dma_start3A_19 = arith.constant 1 : i32
    %dma_start3A_20 = arith.constant 0 : i32
    %dma_start3A_21 = tpu.memref_slice %arg6[%dma_start3A_19, %dma_start3A_20] : memref<40x128xi32, #tpu.memory_space<vmem>> -> memref<1x128xi32, #tpu.memory_space<vmem>>
    %dma_start3A_22 = tpu.memref_squeeze %dma_start3A_21 : memref<1x128xi32, #tpu.memory_space<vmem>> -> memref<128xi32, #tpu.memory_space<vmem>>
    %dma_start3A_23 = arith.constant 0 : i32
    %dma_start3A_24 = arith.constant 0 : i32
    %dma_start3A_25 = tpu.memref_slice %arg14[%dma_start3A_23, %dma_start3A_24] : memref<10240x48xf32, #tpu.memory_space<vmem_shared>> -> memref<10240x48xf32, #tpu.memory_space<vmem_shared>>
    tpu.enqueue_indirect_dma source(%dma_start3A_25 : memref<10240x48xf32, #tpu.memory_space<vmem_shared>>) target(%arg9 : memref<128x48xf32, #tpu.memory_space<vmem>>) offsets(%dma_start3A_22 : memref<128xi32, #tpu.memory_space<vmem>>) semaphore(%arg16 : memref<!tpu.dma_semaphore, #tpu.memory_space<semaphore_mem>>)
    %dma_start3A_26 = arith.constant 2 : i32
    %dma_start3A_27 = arith.constant 0 : i32
    %dma_start3A_28 = tpu.memref_slice %arg6[%dma_start3A_26, %dma_start3A_27] : memref<40x128xi32, #tpu.memory_space<vmem>> -> memref<1x128xi32, #tpu.memory_space<vmem>>
    %dma_start3A_29 = tpu.memref_squeeze %dma_start3A_28 : memref<1x128xi32, #tpu.memory_space<vmem>> -> memref<128xi32, #tpu.memory_space<vmem>>
    %dma_start3A_30 = arith.constant 0 : i32
    %dma_start3A_31 = arith.constant 0 : i32
    %dma_start3A_32 = tpu.memref_slice %arg14[%dma_start3A_30, %dma_start3A_31] : memref<10240x48xf32, #tpu.memory_space<vmem_shared>> -> memref<10240x48xf32, #tpu.memory_space<vmem_shared>>
    tpu.enqueue_indirect_dma source(%dma_start3A_32 : memref<10240x48xf32, #tpu.memory_space<vmem_shared>>) target(%arg10 : memref<128x48xf32, #tpu.memory_space<vmem>>) offsets(%dma_start3A_29 : memref<128xi32, #tpu.memory_space<vmem>>) semaphore(%arg17 : memref<!tpu.dma_semaphore, #tpu.memory_space<semaphore_mem>>)
    %dma_start3A_33 = arith.constant 3 : i32
    %dma_start3A_34 = arith.constant 0 : i32
    %dma_start3A_35 = tpu.memref_slice %arg6[%dma_start3A_33, %dma_start3A_34] : memref<40x128xi32, #tpu.memory_space<vmem>> -> memref<1x128xi32, #tpu.memory_space<vmem>>
    %dma_start3A_36 = tpu.memref_squeeze %dma_start3A_35 : memref<1x128xi32, #tpu.memory_space<vmem>> -> memref<128xi32, #tpu.memory_space<vmem>>
    %dma_start3A_37 = arith.constant 0 : i32
    %dma_start3A_38 = arith.constant 0 : i32
    %dma_start3A_39 = tpu.memref_slice %arg14[%dma_start3A_37, %dma_start3A_38] : memref<10240x48xf32, #tpu.memory_space<vmem_shared>> -> memref<10240x48xf32, #tpu.memory_space<vmem_shared>>
    tpu.enqueue_indirect_dma source(%dma_start3A_39 : memref<10240x48xf32, #tpu.memory_space<vmem_shared>>) target(%arg11 : memref<128x48xf32, #tpu.memory_space<vmem>>) offsets(%dma_start3A_36 : memref<128xi32, #tpu.memory_space<vmem>>) semaphore(%arg18 : memref<!tpu.dma_semaphore, #tpu.memory_space<semaphore_mem>>)
    %scan3A_40 = arith.constant 0 : i32
    %scan3A_41 = arith.constant 0 : i32
    %scan3A_42 = arith.constant 10 : i32
    %scan3A_43 = arith.addi %scan3A_41, %scan3A_42 : i32
    %scan3A_44 = arith.constant 1 : i32
    scf.for %scan3A_51 = %scan3A_41 to %scan3A_43 step %scan3A_44  : i32 {
      %mul3A_52 = arith.constant 4 : i32
      %mul3A_53 = arith.muli %mul3A_52, %scan3A_51 : i32
      %add3A_54 = arith.constant 0 : i32
      %add3A_55 = arith.addi %mul3A_53, %add3A_54 : i32
      %dma_wait3A = arith.constant 0 : i32
      %dma_wait3A_56 = tpu.memref_slice %arg6[%add3A_55, %dma_wait3A] : memref<40x128xi32, #tpu.memory_space<vmem>> -> memref<1x128xi32, #tpu.memory_space<vmem>>
      %dma_wait3A_57 = tpu.memref_squeeze %dma_wait3A_56 : memref<1x128xi32, #tpu.memory_space<vmem>> -> memref<128xi32, #tpu.memory_space<vmem>>
      %dma_wait3A_58 = arith.constant 0 : i32
      %dma_wait3A_59 = arith.constant 0 : i32
      %dma_wait3A_60 = tpu.memref_slice %arg14[%dma_wait3A_58, %dma_wait3A_59] : memref<10240x48xf32, #tpu.memory_space<vmem_shared>> -> memref<10240x48xf32, #tpu.memory_space<vmem_shared>>
      tpu.wait_indirect_dma semaphore(%arg15 : memref<!tpu.dma_semaphore, #tpu.memory_space<semaphore_mem>>) src(%dma_wait3A_60 : memref<10240x48xf32, #tpu.memory_space<vmem_shared>>) dst(%arg8 : memref<128x48xf32, #tpu.memory_space<vmem>>)
      "tpu.region"() ({
        %run_scoped3A = tpu.sem_alloc : memref<!tpu.dma_semaphore, #tpu.memory_space<semaphore_mem>>
        %dma_start3A_116 = arith.constant 0 : i32
        %dma_start3A_117 = tpu.memref_slice %arg7[%add3A_55, %dma_start3A_116] : memref<40x128xi32, #tpu.memory_space<vmem>> -> memref<1x128xi32, #tpu.memory_space<vmem>>
        %dma_start3A_118 = tpu.memref_squeeze %dma_start3A_117 : memref<1x128xi32, #tpu.memory_space<vmem>> -> memref<128xi32, #tpu.memory_space<vmem>>
        %dma_start3A_119 = arith.constant 0 : i32
        %dma_start3A_120 = arith.constant 0 : i32
        %dma_start3A_121 = tpu.memref_slice %arg13[%dma_start3A_119, %dma_start3A_120] : memref<10240x48xf32, #tpu.memory_space<vmem_shared>> -> memref<10240x48xf32, #tpu.memory_space<vmem_shared>>
        tpu.enqueue_indirect_dma source(%arg8 : memref<128x48xf32, #tpu.memory_space<vmem>>) target(%dma_start3A_121 : memref<10240x48xf32, #tpu.memory_space<vmem_shared>>) offsets(%dma_start3A_118 : memref<128xi32, #tpu.memory_space<vmem>>) semaphore(%run_scoped3A : memref<!tpu.dma_semaphore, #tpu.memory_space<semaphore_mem>>) {add = true}
        %dma_wait3A_122 = arith.constant 0 : i32
        %dma_wait3A_123 = tpu.memref_slice %arg7[%add3A_55, %dma_wait3A_122] : memref<40x128xi32, #tpu.memory_space<vmem>> -> memref<1x128xi32, #tpu.memory_space<vmem>>
        %dma_wait3A_124 = tpu.memref_squeeze %dma_wait3A_123 : memref<1x128xi32, #tpu.memory_space<vmem>> -> memref<128xi32, #tpu.memory_space<vmem>>
        %dma_wait3A_125 = arith.constant 0 : i32
        %dma_wait3A_126 = arith.constant 0 : i32
        %dma_wait3A_127 = tpu.memref_slice %arg13[%dma_wait3A_125, %dma_wait3A_126] : memref<10240x48xf32, #tpu.memory_space<vmem_shared>> -> memref<10240x48xf32, #tpu.memory_space<vmem_shared>>
        tpu.wait_indirect_dma semaphore(%run_scoped3A : memref<!tpu.dma_semaphore, #tpu.memory_space<semaphore_mem>>) src(%arg8 : memref<128x48xf32, #tpu.memory_space<vmem>>) dst(%dma_wait3A_127 : memref<10240x48xf32, #tpu.memory_space<vmem_shared>>)
        tpu.yield
      }) : () -> ()
      %add3A_61 = arith.constant 4 : i32
      %add3A_62 = arith.addi %add3A_55, %add3A_61 : i32
      %lt3A = arith.constant 40 : i32
      %lt3A_63 = arith.cmpi slt, %add3A_62, %lt3A : i32
      %convert_element_type3A = arith.extui %lt3A_63 : i1 to i32
      %cond3A = arith.constant 0 : i32
      %cond3A_64 = arith.cmpi ne, %convert_element_type3A, %cond3A : i32
      scf.if %cond3A_64 {
        %dma_start3A_116 = arith.constant 0 : i32
        %dma_start3A_117 = tpu.memref_slice %arg6[%add3A_62, %dma_start3A_116] : memref<40x128xi32, #tpu.memory_space<vmem>> -> memref<1x128xi32, #tpu.memory_space<vmem>>
        %dma_start3A_118 = tpu.memref_squeeze %dma_start3A_117 : memref<1x128xi32, #tpu.memory_space<vmem>> -> memref<128xi32, #tpu.memory_space<vmem>>
        %dma_start3A_119 = arith.constant 0 : i32
        %dma_start3A_120 = arith.constant 0 : i32
        %dma_start3A_121 = tpu.memref_slice %arg14[%dma_start3A_119, %dma_start3A_120] : memref<10240x48xf32, #tpu.memory_space<vmem_shared>> -> memref<10240x48xf32, #tpu.memory_space<vmem_shared>>
        tpu.enqueue_indirect_dma source(%dma_start3A_121 : memref<10240x48xf32, #tpu.memory_space<vmem_shared>>) target(%arg8 : memref<128x48xf32, #tpu.memory_space<vmem>>) offsets(%dma_start3A_118 : memref<128xi32, #tpu.memory_space<vmem>>) semaphore(%arg15 : memref<!tpu.dma_semaphore, #tpu.memory_space<semaphore_mem>>)
      } else {
      }
      %mul3A_65 = arith.constant 4 : i32
      %mul3A_66 = arith.muli %mul3A_65, %scan3A_51 : i32
      %add3A_67 = arith.constant 1 : i32
      %add3A_68 = arith.addi %mul3A_66, %add3A_67 : i32
      %dma_wait3A_69 = arith.constant 0 : i32
      %dma_wait3A_70 = tpu.memref_slice %arg6[%add3A_68, %dma_wait3A_69] : memref<40x128xi32, #tpu.memory_space<vmem>> -> memref<1x128xi32, #tpu.memory_space<vmem>>
      %dma_wait3A_71 = tpu.memref_squeeze %dma_wait3A_70 : memref<1x128xi32, #tpu.memory_space<vmem>> -> memref<128xi32, #tpu.memory_space<vmem>>
      %dma_wait3A_72 = arith.constant 0 : i32
      %dma_wait3A_73 = arith.constant 0 : i32
      %dma_wait3A_74 = tpu.memref_slice %arg14[%dma_wait3A_72, %dma_wait3A_73] : memref<10240x48xf32, #tpu.memory_space<vmem_shared>> -> memref<10240x48xf32, #tpu.memory_space<vmem_shared>>
      tpu.wait_indirect_dma semaphore(%arg16 : memref<!tpu.dma_semaphore, #tpu.memory_space<semaphore_mem>>) src(%dma_wait3A_74 : memref<10240x48xf32, #tpu.memory_space<vmem_shared>>) dst(%arg9 : memref<128x48xf32, #tpu.memory_space<vmem>>)
      "tpu.region"() ({
        %run_scoped3A = tpu.sem_alloc : memref<!tpu.dma_semaphore, #tpu.memory_space<semaphore_mem>>
        %dma_start3A_116 = arith.constant 0 : i32
        %dma_start3A_117 = tpu.memref_slice %arg7[%add3A_68, %dma_start3A_116] : memref<40x128xi32, #tpu.memory_space<vmem>> -> memref<1x128xi32, #tpu.memory_space<vmem>>
        %dma_start3A_118 = tpu.memref_squeeze %dma_start3A_117 : memref<1x128xi32, #tpu.memory_space<vmem>> -> memref<128xi32, #tpu.memory_space<vmem>>
        %dma_start3A_119 = arith.constant 0 : i32
        %dma_start3A_120 = arith.constant 0 : i32
        %dma_start3A_121 = tpu.memref_slice %arg13[%dma_start3A_119, %dma_start3A_120] : memref<10240x48xf32, #tpu.memory_space<vmem_shared>> -> memref<10240x48xf32, #tpu.memory_space<vmem_shared>>
        tpu.enqueue_indirect_dma source(%arg9 : memref<128x48xf32, #tpu.memory_space<vmem>>) target(%dma_start3A_121 : memref<10240x48xf32, #tpu.memory_space<vmem_shared>>) offsets(%dma_start3A_118 : memref<128xi32, #tpu.memory_space<vmem>>) semaphore(%run_scoped3A : memref<!tpu.dma_semaphore, #tpu.memory_space<semaphore_mem>>) {add = true}
        %dma_wait3A_122 = arith.constant 0 : i32
        %dma_wait3A_123 = tpu.memref_slice %arg7[%add3A_68, %dma_wait3A_122] : memref<40x128xi32, #tpu.memory_space<vmem>> -> memref<1x128xi32, #tpu.memory_space<vmem>>
        %dma_wait3A_124 = tpu.memref_squeeze %dma_wait3A_123 : memref<1x128xi32, #tpu.memory_space<vmem>> -> memref<128xi32, #tpu.memory_space<vmem>>
        %dma_wait3A_125 = arith.constant 0 : i32
        %dma_wait3A_126 = arith.constant 0 : i32
        %dma_wait3A_127 = tpu.memref_slice %arg13[%dma_wait3A_125, %dma_wait3A_126] : memref<10240x48xf32, #tpu.memory_space<vmem_shared>> -> memref<10240x48xf32, #tpu.memory_space<vmem_shared>>
        tpu.wait_indirect_dma semaphore(%run_scoped3A : memref<!tpu.dma_semaphore, #tpu.memory_space<semaphore_mem>>) src(%arg9 : memref<128x48xf32, #tpu.memory_space<vmem>>) dst(%dma_wait3A_127 : memref<10240x48xf32, #tpu.memory_space<vmem_shared>>)
        tpu.yield
      }) : () -> ()
      %add3A_75 = arith.constant 4 : i32
      %add3A_76 = arith.addi %add3A_68, %add3A_75 : i32
      %lt3A_77 = arith.constant 40 : i32
      %lt3A_78 = arith.cmpi slt, %add3A_76, %lt3A_77 : i32
      %convert_element_type3A_79 = arith.extui %lt3A_78 : i1 to i32
      %cond3A_80 = arith.constant 0 : i32
      %cond3A_81 = arith.cmpi ne, %convert_element_type3A_79, %cond3A_80 : i32
      scf.if %cond3A_81 {
        %dma_start3A_116 = arith.constant 0 : i32
        %dma_start3A_117 = tpu.memref_slice %arg6[%add3A_76, %dma_start3A_116] : memref<40x128xi32, #tpu.memory_space<vmem>> -> memref<1x128xi32, #tpu.memory_space<vmem>>
        %dma_start3A_118 = tpu.memref_squeeze %dma_start3A_117 : memref<1x128xi32, #tpu.memory_space<vmem>> -> memref<128xi32, #tpu.memory_space<vmem>>
        %dma_start3A_119 = arith.constant 0 : i32
        %dma_start3A_120 = arith.constant 0 : i32
        %dma_start3A_121 = tpu.memref_slice %arg14[%dma_start3A_119, %dma_start3A_120] : memref<10240x48xf32, #tpu.memory_space<vmem_shared>> -> memref<10240x48xf32, #tpu.memory_space<vmem_shared>>
        tpu.enqueue_indirect_dma source(%dma_start3A_121 : memref<10240x48xf32, #tpu.memory_space<vmem_shared>>) target(%arg9 : memref<128x48xf32, #tpu.memory_space<vmem>>) offsets(%dma_start3A_118 : memref<128xi32, #tpu.memory_space<vmem>>) semaphore(%arg16 : memref<!tpu.dma_semaphore, #tpu.memory_space<semaphore_mem>>)
      } else {
      }
      %mul3A_82 = arith.constant 4 : i32
      %mul3A_83 = arith.muli %mul3A_82, %scan3A_51 : i32
      %add3A_84 = arith.constant 2 : i32
      %add3A_85 = arith.addi %mul3A_83, %add3A_84 : i32
      %dma_wait3A_86 = arith.constant 0 : i32
      %dma_wait3A_87 = tpu.memref_slice %arg6[%add3A_85, %dma_wait3A_86] : memref<40x128xi32, #tpu.memory_space<vmem>> -> memref<1x128xi32, #tpu.memory_space<vmem>>
      %dma_wait3A_88 = tpu.memref_squeeze %dma_wait3A_87 : memref<1x128xi32, #tpu.memory_space<vmem>> -> memref<128xi32, #tpu.memory_space<vmem>>
      %dma_wait3A_89 = arith.constant 0 : i32
      %dma_wait3A_90 = arith.constant 0 : i32
      %dma_wait3A_91 = tpu.memref_slice %arg14[%dma_wait3A_89, %dma_wait3A_90] : memref<10240x48xf32, #tpu.memory_space<vmem_shared>> -> memref<10240x48xf32, #tpu.memory_space<vmem_shared>>
      tpu.wait_indirect_dma semaphore(%arg17 : memref<!tpu.dma_semaphore, #tpu.memory_space<semaphore_mem>>) src(%dma_wait3A_91 : memref<10240x48xf32, #tpu.memory_space<vmem_shared>>) dst(%arg10 : memref<128x48xf32, #tpu.memory_space<vmem>>)
      "tpu.region"() ({
        %run_scoped3A = tpu.sem_alloc : memref<!tpu.dma_semaphore, #tpu.memory_space<semaphore_mem>>
        %dma_start3A_116 = arith.constant 0 : i32
        %dma_start3A_117 = tpu.memref_slice %arg7[%add3A_85, %dma_start3A_116] : memref<40x128xi32, #tpu.memory_space<vmem>> -> memref<1x128xi32, #tpu.memory_space<vmem>>
        %dma_start3A_118 = tpu.memref_squeeze %dma_start3A_117 : memref<1x128xi32, #tpu.memory_space<vmem>> -> memref<128xi32, #tpu.memory_space<vmem>>
        %dma_start3A_119 = arith.constant 0 : i32
        %dma_start3A_120 = arith.constant 0 : i32
        %dma_start3A_121 = tpu.memref_slice %arg13[%dma_start3A_119, %dma_start3A_120] : memref<10240x48xf32, #tpu.memory_space<vmem_shared>> -> memref<10240x48xf32, #tpu.memory_space<vmem_shared>>
        tpu.enqueue_indirect_dma source(%arg10 : memref<128x48xf32, #tpu.memory_space<vmem>>) target(%dma_start3A_121 : memref<10240x48xf32, #tpu.memory_space<vmem_shared>>) offsets(%dma_start3A_118 : memref<128xi32, #tpu.memory_space<vmem>>) semaphore(%run_scoped3A : memref<!tpu.dma_semaphore, #tpu.memory_space<semaphore_mem>>) {add = true}
        %dma_wait3A_122 = arith.constant 0 : i32
        %dma_wait3A_123 = tpu.memref_slice %arg7[%add3A_85, %dma_wait3A_122] : memref<40x128xi32, #tpu.memory_space<vmem>> -> memref<1x128xi32, #tpu.memory_space<vmem>>
        %dma_wait3A_124 = tpu.memref_squeeze %dma_wait3A_123 : memref<1x128xi32, #tpu.memory_space<vmem>> -> memref<128xi32, #tpu.memory_space<vmem>>
        %dma_wait3A_125 = arith.constant 0 : i32
        %dma_wait3A_126 = arith.constant 0 : i32
        %dma_wait3A_127 = tpu.memref_slice %arg13[%dma_wait3A_125, %dma_wait3A_126] : memref<10240x48xf32, #tpu.memory_space<vmem_shared>> -> memref<10240x48xf32, #tpu.memory_space<vmem_shared>>
        tpu.wait_indirect_dma semaphore(%run_scoped3A : memref<!tpu.dma_semaphore, #tpu.memory_space<semaphore_mem>>) src(%arg10 : memref<128x48xf32, #tpu.memory_space<vmem>>) dst(%dma_wait3A_127 : memref<10240x48xf32, #tpu.memory_space<vmem_shared>>)
        tpu.yield
      }) : () -> ()
      %add3A_92 = arith.constant 4 : i32
      %add3A_93 = arith.addi %add3A_85, %add3A_92 : i32
      %lt3A_94 = arith.constant 40 : i32
      %lt3A_95 = arith.cmpi slt, %add3A_93, %lt3A_94 : i32
      %convert_element_type3A_96 = arith.extui %lt3A_95 : i1 to i32
      %cond3A_97 = arith.constant 0 : i32
      %cond3A_98 = arith.cmpi ne, %convert_element_type3A_96, %cond3A_97 : i32
      scf.if %cond3A_98 {
        %dma_start3A_116 = arith.constant 0 : i32
        %dma_start3A_117 = tpu.memref_slice %arg6[%add3A_93, %dma_start3A_116] : memref<40x128xi32, #tpu.memory_space<vmem>> -> memref<1x128xi32, #tpu.memory_space<vmem>>
        %dma_start3A_118 = tpu.memref_squeeze %dma_start3A_117 : memref<1x128xi32, #tpu.memory_space<vmem>> -> memref<128xi32, #tpu.memory_space<vmem>>
        %dma_start3A_119 = arith.constant 0 : i32
        %dma_start3A_120 = arith.constant 0 : i32
        %dma_start3A_121 = tpu.memref_slice %arg14[%dma_start3A_119, %dma_start3A_120] : memref<10240x48xf32, #tpu.memory_space<vmem_shared>> -> memref<10240x48xf32, #tpu.memory_space<vmem_shared>>
        tpu.enqueue_indirect_dma source(%dma_start3A_121 : memref<10240x48xf32, #tpu.memory_space<vmem_shared>>) target(%arg10 : memref<128x48xf32, #tpu.memory_space<vmem>>) offsets(%dma_start3A_118 : memref<128xi32, #tpu.memory_space<vmem>>) semaphore(%arg17 : memref<!tpu.dma_semaphore, #tpu.memory_space<semaphore_mem>>)
      } else {
      }
      %mul3A_99 = arith.constant 4 : i32
      %mul3A_100 = arith.muli %mul3A_99, %scan3A_51 : i32
      %add3A_101 = arith.constant 3 : i32
      %add3A_102 = arith.addi %mul3A_100, %add3A_101 : i32
      %dma_wait3A_103 = arith.constant 0 : i32
      %dma_wait3A_104 = tpu.memref_slice %arg6[%add3A_102, %dma_wait3A_103] : memref<40x128xi32, #tpu.memory_space<vmem>> -> memref<1x128xi32, #tpu.memory_space<vmem>>
      %dma_wait3A_105 = tpu.memref_squeeze %dma_wait3A_104 : memref<1x128xi32, #tpu.memory_space<vmem>> -> memref<128xi32, #tpu.memory_space<vmem>>
      %dma_wait3A_106 = arith.constant 0 : i32
      %dma_wait3A_107 = arith.constant 0 : i32
      %dma_wait3A_108 = tpu.memref_slice %arg14[%dma_wait3A_106, %dma_wait3A_107] : memref<10240x48xf32, #tpu.memory_space<vmem_shared>> -> memref<10240x48xf32, #tpu.memory_space<vmem_shared>>
      tpu.wait_indirect_dma semaphore(%arg18 : memref<!tpu.dma_semaphore, #tpu.memory_space<semaphore_mem>>) src(%dma_wait3A_108 : memref<10240x48xf32, #tpu.memory_space<vmem_shared>>) dst(%arg11 : memref<128x48xf32, #tpu.memory_space<vmem>>)
      "tpu.region"() ({
        %run_scoped3A = tpu.sem_alloc : memref<!tpu.dma_semaphore, #tpu.memory_space<semaphore_mem>>
        %dma_start3A_116 = arith.constant 0 : i32
        %dma_start3A_117 = tpu.memref_slice %arg7[%add3A_102, %dma_start3A_116] : memref<40x128xi32, #tpu.memory_space<vmem>> -> memref<1x128xi32, #tpu.memory_space<vmem>>
        %dma_start3A_118 = tpu.memref_squeeze %dma_start3A_117 : memref<1x128xi32, #tpu.memory_space<vmem>> -> memref<128xi32, #tpu.memory_space<vmem>>
        %dma_start3A_119 = arith.constant 0 : i32
        %dma_start3A_120 = arith.constant 0 : i32
        %dma_start3A_121 = tpu.memref_slice %arg13[%dma_start3A_119, %dma_start3A_120] : memref<10240x48xf32, #tpu.memory_space<vmem_shared>> -> memref<10240x48xf32, #tpu.memory_space<vmem_shared>>
        tpu.enqueue_indirect_dma source(%arg11 : memref<128x48xf32, #tpu.memory_space<vmem>>) target(%dma_start3A_121 : memref<10240x48xf32, #tpu.memory_space<vmem_shared>>) offsets(%dma_start3A_118 : memref<128xi32, #tpu.memory_space<vmem>>) semaphore(%run_scoped3A : memref<!tpu.dma_semaphore, #tpu.memory_space<semaphore_mem>>) {add = true}
        %dma_wait3A_122 = arith.constant 0 : i32
        %dma_wait3A_123 = tpu.memref_slice %arg7[%add3A_102, %dma_wait3A_122] : memref<40x128xi32, #tpu.memory_space<vmem>> -> memref<1x128xi32, #tpu.memory_space<vmem>>
        %dma_wait3A_124 = tpu.memref_squeeze %dma_wait3A_123 : memref<1x128xi32, #tpu.memory_space<vmem>> -> memref<128xi32, #tpu.memory_space<vmem>>
        %dma_wait3A_125 = arith.constant 0 : i32
        %dma_wait3A_126 = arith.constant 0 : i32
        %dma_wait3A_127 = tpu.memref_slice %arg13[%dma_wait3A_125, %dma_wait3A_126] : memref<10240x48xf32, #tpu.memory_space<vmem_shared>> -> memref<10240x48xf32, #tpu.memory_space<vmem_shared>>
        tpu.wait_indirect_dma semaphore(%run_scoped3A : memref<!tpu.dma_semaphore, #tpu.memory_space<semaphore_mem>>) src(%arg11 : memref<128x48xf32, #tpu.memory_space<vmem>>) dst(%dma_wait3A_127 : memref<10240x48xf32, #tpu.memory_space<vmem_shared>>)
        tpu.yield
      }) : () -> ()
      %add3A_109 = arith.constant 4 : i32
      %add3A_110 = arith.addi %add3A_102, %add3A_109 : i32
      %lt3A_111 = arith.constant 40 : i32
      %lt3A_112 = arith.cmpi slt, %add3A_110, %lt3A_111 : i32
      %convert_element_type3A_113 = arith.extui %lt3A_112 : i1 to i32
      %cond3A_114 = arith.constant 0 : i32
      %cond3A_115 = arith.cmpi ne, %convert_element_type3A_113, %cond3A_114 : i32
      scf.if %cond3A_115 {
        %dma_start3A_116 = arith.constant 0 : i32
        %dma_start3A_117 = tpu.memref_slice %arg6[%add3A_110, %dma_start3A_116] : memref<40x128xi32, #tpu.memory_space<vmem>> -> memref<1x128xi32, #tpu.memory_space<vmem>>
        %dma_start3A_118 = tpu.memref_squeeze %dma_start3A_117 : memref<1x128xi32, #tpu.memory_space<vmem>> -> memref<128xi32, #tpu.memory_space<vmem>>
        %dma_start3A_119 = arith.constant 0 : i32
        %dma_start3A_120 = arith.constant 0 : i32
        %dma_start3A_121 = tpu.memref_slice %arg14[%dma_start3A_119, %dma_start3A_120] : memref<10240x48xf32, #tpu.memory_space<vmem_shared>> -> memref<10240x48xf32, #tpu.memory_space<vmem_shared>>
        tpu.enqueue_indirect_dma source(%dma_start3A_121 : memref<10240x48xf32, #tpu.memory_space<vmem_shared>>) target(%arg11 : memref<128x48xf32, #tpu.memory_space<vmem>>) offsets(%dma_start3A_118 : memref<128xi32, #tpu.memory_space<vmem>>) semaphore(%arg18 : memref<!tpu.dma_semaphore, #tpu.memory_space<semaphore_mem>>)
      } else {
      }
    }
    %scan3A_45 = arith.constant 10 : i32
    %barrier3A_46 = arith.constant 0 : index
    tpu.barrier barrier_id(%barrier3A_46)
    %mul3A_47 = arith.constant 640 : i32
    %mul3A_48 = arith.muli %arg1, %mul3A_47 : i32
    "tpu.region"() ({
      %run_scoped3A = tpu.sem_alloc : memref<!tpu.dma_semaphore, #tpu.memory_space<semaphore_mem>>
      %dma_start3A_51 = arith.constant 0 : i32
      %dma_start3A_52 = tpu.memref_slice %arg13[%mul3A_48, %dma_start3A_51] : memref<10240x48xf32, #tpu.memory_space<vmem_shared>> -> memref<640x48xf32, #tpu.memory_space<vmem_shared>>
      %dma_start3A_53 = arith.constant 0 : i32
      %dma_start3A_54 = tpu.memref_slice %arg13[%mul3A_48, %dma_start3A_53] : memref<10240x48xf32, #tpu.memory_space<vmem_shared>> -> memref<640x48xf32, #tpu.memory_space<vmem_shared>>
      tpu.enqueue_dma source(%dma_start3A_54 : memref<640x48xf32, #tpu.memory_space<vmem_shared>>) target(%arg12 : memref<640x48xf32, #tpu.memory_space<vmem>>) target_semaphore(%run_scoped3A : memref<!tpu.dma_semaphore, #tpu.memory_space<semaphore_mem>>)
      %dma_wait3A = arith.constant 0 : i32
      %dma_wait3A_55 = tpu.memref_slice %arg13[%mul3A_48, %dma_wait3A] : memref<10240x48xf32, #tpu.memory_space<vmem_shared>> -> memref<640x48xf32, #tpu.memory_space<vmem_shared>>
      %dma_wait3A_56 = arith.constant 0 : i32
      %dma_wait3A_57 = tpu.memref_slice %arg13[%mul3A_48, %dma_wait3A_56] : memref<10240x48xf32, #tpu.memory_space<vmem_shared>> -> memref<640x48xf32, #tpu.memory_space<vmem_shared>>
      tpu.wait_dma2 semaphore(%run_scoped3A : memref<!tpu.dma_semaphore, #tpu.memory_space<semaphore_mem>>) src(%dma_wait3A_57 : memref<640x48xf32, #tpu.memory_space<vmem_shared>>) dst(%arg12 : memref<640x48xf32, #tpu.memory_space<vmem>>)
      tpu.yield
    }) : () -> ()
    %mul3A_49 = arith.constant 640 : i32
    %mul3A_50 = arith.muli %arg1, %mul3A_49 : i32
    "tpu.region"() ({
      %run_scoped3A = tpu.sem_alloc : memref<!tpu.dma_semaphore, #tpu.memory_space<semaphore_mem>>
      %dma_start3A_51 = arith.constant 0 : i32
      %dma_start3A_52 = tpu.memref_slice %arg5[%arg0, %mul3A_50, %dma_start3A_51] : memref<2x10240x48xf32, #tpu.memory_space<hbm>> -> memref<1x640x48xf32, #tpu.memory_space<hbm>>
      %dma_start3A_53 = tpu.memref_squeeze %dma_start3A_52 : memref<1x640x48xf32, #tpu.memory_space<hbm>> -> memref<640x48xf32, #tpu.memory_space<hbm>>
      %dma_start3A_54 = arith.constant 0 : i32
      %dma_start3A_55 = tpu.memref_slice %arg5[%arg0, %mul3A_50, %dma_start3A_54] : memref<2x10240x48xf32, #tpu.memory_space<hbm>> -> memref<1x640x48xf32, #tpu.memory_space<hbm>>
      %dma_start3A_56 = tpu.memref_squeeze %dma_start3A_55 : memref<1x640x48xf32, #tpu.memory_space<hbm>> -> memref<640x48xf32, #tpu.memory_space<hbm>>
      tpu.enqueue_dma source(%arg12 : memref<640x48xf32, #tpu.memory_space<vmem>>) target(%dma_start3A_56 : memref<640x48xf32, #tpu.memory_space<hbm>>) target_semaphore(%run_scoped3A : memref<!tpu.dma_semaphore, #tpu.memory_space<semaphore_mem>>)
      %dma_wait3A = arith.constant 0 : i32
      %dma_wait3A_57 = tpu.memref_slice %arg5[%arg0, %mul3A_50, %dma_wait3A] : memref<2x10240x48xf32, #tpu.memory_space<hbm>> -> memref<1x640x48xf32, #tpu.memory_space<hbm>>
      %dma_wait3A_58 = tpu.memref_squeeze %dma_wait3A_57 : memref<1x640x48xf32, #tpu.memory_space<hbm>> -> memref<640x48xf32, #tpu.memory_space<hbm>>
      %dma_wait3A_59 = arith.constant 0 : i32
      %dma_wait3A_60 = tpu.memref_slice %arg5[%arg0, %mul3A_50, %dma_wait3A_59] : memref<2x10240x48xf32, #tpu.memory_space<hbm>> -> memref<1x640x48xf32, #tpu.memory_space<hbm>>
      %dma_wait3A_61 = tpu.memref_squeeze %dma_wait3A_60 : memref<1x640x48xf32, #tpu.memory_space<hbm>> -> memref<640x48xf32, #tpu.memory_space<hbm>>
      tpu.wait_dma2 semaphore(%run_scoped3A : memref<!tpu.dma_semaphore, #tpu.memory_space<semaphore_mem>>) src(%arg12 : memref<640x48xf32, #tpu.memory_space<vmem>>) dst(%dma_wait3A_61 : memref<640x48xf32, #tpu.memory_space<hbm>>)
      tpu.yield
    }) : () -> ()
    return
  }
}

#map = affine_map<(d0, d1) -> (0, 0, 0)>
module attributes {stable_mosaic.version = 14 : i64} {
  func.func @_sc_deg_body(%arg0: i32, %arg1: i32, %arg2: memref<32x40x128xi32, #tpu.memory_space<hbm>>, %arg3: memref<2x10240x16xf32, #tpu.memory_space<hbm>>, %arg4: memref<40x128xi32, #tpu.memory_space<vmem>>, %arg5: memref<128x16xf32, #tpu.memory_space<vmem>>, %arg6: memref<640x16xf32, #tpu.memory_space<vmem>>, %arg7: memref<10240x16xf32, #tpu.memory_space<vmem_shared>>) attributes {dimension_semantics = [#tpu.dimension_semantics<core_parallel>, #tpu.dimension_semantics<subcore_parallel>], iteration_bounds = array<i64: 2, 16>, scalar_prefetch = 0 : i64, scratch_operands = 4 : i64, tpu.core_type = #tpu.core_type<sc_vector_subcore>, window_params = [{transform_indices = #map}, {transform_indices = #map}]} {
    %mul3A = arith.constant 2 : i32
    %mul3A_0 = arith.muli %arg1, %mul3A : i32
    %add3A = arith.addi %mul3A_0, %arg0 : i32
    %broadcast_in_dim3A = arith.constant 1.000000e+00 : f32
    %broadcast_in_dim3A_1 = vector.broadcast %broadcast_in_dim3A : f32 to vector<16xf32>
    %broadcast_in_dim3A_2 = arith.constant 0.000000e+00 : f32
    %broadcast_in_dim3A_3 = vector.broadcast %broadcast_in_dim3A_2 : f32 to vector<16xf32>
    %scan3A = arith.constant 0 : i32
    %scan3A_4 = arith.constant 0 : i32
    %scan3A_5 = arith.constant 128 : i32
    %scan3A_6 = arith.addi %scan3A_4, %scan3A_5 : i32
    %scan3A_7 = arith.constant 1 : i32
    scf.for %scan3A_28 = %scan3A_4 to %scan3A_6 step %scan3A_7  : i32 {
      %swap3A = arith.index_cast %scan3A_28 : i32 to index
      %swap3A_29 = arith.constant 0 : index
      %swap3A_30 = tpu.vector_load %arg5[%swap3A, %swap3A_29] {strides = array<i32>} : memref<128x16xf32, #tpu.memory_space<vmem>>, vector<1x16xf32>,
      %swap3A_31 = vector.shape_cast %swap3A_30 : vector<1x16xf32> to vector<16xf32>
      %swap3A_32 = vector.shape_cast %broadcast_in_dim3A_1 : vector<16xf32> to vector<1x16xf32>
      tpu.vector_store %arg5[%swap3A, %swap3A_29], %swap3A_32 {strides = array<i32>} : memref<128x16xf32, #tpu.memory_space<vmem>>, vector<1x16xf32>,
    }
    %scan3A_8 = arith.constant 128 : i32
    %scan3A_9 = arith.constant 0 : i32
    %scan3A_10 = arith.constant 0 : i32
    %scan3A_11 = arith.constant 640 : i32
    %scan3A_12 = arith.addi %scan3A_10, %scan3A_11 : i32
    %scan3A_13 = arith.constant 1 : i32
    scf.for %scan3A_28 = %scan3A_10 to %scan3A_12 step %scan3A_13  : i32 {
      %swap3A = arith.index_cast %scan3A_28 : i32 to index
      %swap3A_29 = arith.constant 0 : index
      %swap3A_30 = tpu.vector_load %arg6[%swap3A, %swap3A_29] {strides = array<i32>} : memref<640x16xf32, #tpu.memory_space<vmem>>, vector<1x16xf32>,
      %swap3A_31 = vector.shape_cast %swap3A_30 : vector<1x16xf32> to vector<16xf32>
      %swap3A_32 = vector.shape_cast %broadcast_in_dim3A_3 : vector<16xf32> to vector<1x16xf32>
      tpu.vector_store %arg6[%swap3A, %swap3A_29], %swap3A_32 {strides = array<i32>} : memref<640x16xf32, #tpu.memory_space<vmem>>, vector<1x16xf32>,
    }
    %scan3A_14 = arith.constant 640 : i32
    %mul3A_15 = arith.constant 640 : i32
    %mul3A_16 = arith.muli %arg1, %mul3A_15 : i32
    "tpu.region"() ({
      %run_scoped3A = tpu.sem_alloc : memref<!tpu.dma_semaphore, #tpu.memory_space<semaphore_mem>>
      %dma_start3A = arith.constant 0 : i32
      %dma_start3A_28 = tpu.memref_slice %arg7[%mul3A_16, %dma_start3A] : memref<10240x16xf32, #tpu.memory_space<vmem_shared>> -> memref<640x16xf32, #tpu.memory_space<vmem_shared>>
      %dma_start3A_29 = arith.constant 0 : i32
      %dma_start3A_30 = tpu.memref_slice %arg7[%mul3A_16, %dma_start3A_29] : memref<10240x16xf32, #tpu.memory_space<vmem_shared>> -> memref<640x16xf32, #tpu.memory_space<vmem_shared>>
      tpu.enqueue_dma source(%arg6 : memref<640x16xf32, #tpu.memory_space<vmem>>) target(%dma_start3A_30 : memref<640x16xf32, #tpu.memory_space<vmem_shared>>) target_semaphore(%run_scoped3A : memref<!tpu.dma_semaphore, #tpu.memory_space<semaphore_mem>>)
      %dma_wait3A = arith.constant 0 : i32
      %dma_wait3A_31 = tpu.memref_slice %arg7[%mul3A_16, %dma_wait3A] : memref<10240x16xf32, #tpu.memory_space<vmem_shared>> -> memref<640x16xf32, #tpu.memory_space<vmem_shared>>
      %dma_wait3A_32 = arith.constant 0 : i32
      %dma_wait3A_33 = tpu.memref_slice %arg7[%mul3A_16, %dma_wait3A_32] : memref<10240x16xf32, #tpu.memory_space<vmem_shared>> -> memref<640x16xf32, #tpu.memory_space<vmem_shared>>
      tpu.wait_dma2 semaphore(%run_scoped3A : memref<!tpu.dma_semaphore, #tpu.memory_space<semaphore_mem>>) src(%arg6 : memref<640x16xf32, #tpu.memory_space<vmem>>) dst(%dma_wait3A_33 : memref<640x16xf32, #tpu.memory_space<vmem_shared>>)
      tpu.yield
    }) : () -> ()
    %barrier3A = arith.constant 0 : index
    tpu.barrier barrier_id(%barrier3A)
    "tpu.region"() ({
      %run_scoped3A = tpu.sem_alloc : memref<!tpu.dma_semaphore, #tpu.memory_space<semaphore_mem>>
      %dma_start3A = arith.constant 0 : i32
      %dma_start3A_28 = arith.constant 0 : i32
      %dma_start3A_29 = tpu.memref_slice %arg2[%add3A, %dma_start3A, %dma_start3A_28] : memref<32x40x128xi32, #tpu.memory_space<hbm>> -> memref<1x40x128xi32, #tpu.memory_space<hbm>>
      %dma_start3A_30 = tpu.memref_squeeze %dma_start3A_29 : memref<1x40x128xi32, #tpu.memory_space<hbm>> -> memref<40x128xi32, #tpu.memory_space<hbm>>
      %dma_start3A_31 = arith.constant 0 : i32
      %dma_start3A_32 = arith.constant 0 : i32
      %dma_start3A_33 = tpu.memref_slice %arg2[%add3A, %dma_start3A_31, %dma_start3A_32] : memref<32x40x128xi32, #tpu.memory_space<hbm>> -> memref<1x40x128xi32, #tpu.memory_space<hbm>>
      %dma_start3A_34 = tpu.memref_squeeze %dma_start3A_33 : memref<1x40x128xi32, #tpu.memory_space<hbm>> -> memref<40x128xi32, #tpu.memory_space<hbm>>
      tpu.enqueue_dma source(%dma_start3A_34 : memref<40x128xi32, #tpu.memory_space<hbm>>) target(%arg4 : memref<40x128xi32, #tpu.memory_space<vmem>>) target_semaphore(%run_scoped3A : memref<!tpu.dma_semaphore, #tpu.memory_space<semaphore_mem>>)
      %dma_wait3A = arith.constant 0 : i32
      %dma_wait3A_35 = arith.constant 0 : i32
      %dma_wait3A_36 = tpu.memref_slice %arg2[%add3A, %dma_wait3A, %dma_wait3A_35] : memref<32x40x128xi32, #tpu.memory_space<hbm>> -> memref<1x40x128xi32, #tpu.memory_space<hbm>>
      %dma_wait3A_37 = tpu.memref_squeeze %dma_wait3A_36 : memref<1x40x128xi32, #tpu.memory_space<hbm>> -> memref<40x128xi32, #tpu.memory_space<hbm>>
      %dma_wait3A_38 = arith.constant 0 : i32
      %dma_wait3A_39 = arith.constant 0 : i32
      %dma_wait3A_40 = tpu.memref_slice %arg2[%add3A, %dma_wait3A_38, %dma_wait3A_39] : memref<32x40x128xi32, #tpu.memory_space<hbm>> -> memref<1x40x128xi32, #tpu.memory_space<hbm>>
      %dma_wait3A_41 = tpu.memref_squeeze %dma_wait3A_40 : memref<1x40x128xi32, #tpu.memory_space<hbm>> -> memref<40x128xi32, #tpu.memory_space<hbm>>
      tpu.wait_dma2 semaphore(%run_scoped3A : memref<!tpu.dma_semaphore, #tpu.memory_space<semaphore_mem>>) src(%dma_wait3A_41 : memref<40x128xi32, #tpu.memory_space<hbm>>) dst(%arg4 : memref<40x128xi32, #tpu.memory_space<vmem>>)
      tpu.yield
    }) : () -> ()
    %scan3A_17 = arith.constant 0 : i32
    %scan3A_18 = arith.constant 0 : i32
    %scan3A_19 = arith.constant 40 : i32
    %scan3A_20 = arith.addi %scan3A_18, %scan3A_19 : i32
    %scan3A_21 = arith.constant 1 : i32
    scf.for %scan3A_28 = %scan3A_18 to %scan3A_20 step %scan3A_21  : i32 {
      "tpu.region"() ({
        %run_scoped3A = tpu.sem_alloc : memref<!tpu.dma_semaphore, #tpu.memory_space<semaphore_mem>>
        %dma_start3A = arith.constant 0 : i32
        %dma_start3A_29 = tpu.memref_slice %arg4[%scan3A_28, %dma_start3A] : memref<40x128xi32, #tpu.memory_space<vmem>> -> memref<1x128xi32, #tpu.memory_space<vmem>>
        %dma_start3A_30 = tpu.memref_squeeze %dma_start3A_29 : memref<1x128xi32, #tpu.memory_space<vmem>> -> memref<128xi32, #tpu.memory_space<vmem>>
        %dma_start3A_31 = arith.constant 0 : i32
        %dma_start3A_32 = arith.constant 0 : i32
        %dma_start3A_33 = tpu.memref_slice %arg7[%dma_start3A_31, %dma_start3A_32] : memref<10240x16xf32, #tpu.memory_space<vmem_shared>> -> memref<10240x16xf32, #tpu.memory_space<vmem_shared>>
        tpu.enqueue_indirect_dma source(%arg5 : memref<128x16xf32, #tpu.memory_space<vmem>>) target(%dma_start3A_33 : memref<10240x16xf32, #tpu.memory_space<vmem_shared>>) offsets(%dma_start3A_30 : memref<128xi32, #tpu.memory_space<vmem>>) semaphore(%run_scoped3A : memref<!tpu.dma_semaphore, #tpu.memory_space<semaphore_mem>>) {add = true}
        %dma_wait3A = arith.constant 0 : i32
        %dma_wait3A_34 = tpu.memref_slice %arg4[%scan3A_28, %dma_wait3A] : memref<40x128xi32, #tpu.memory_space<vmem>> -> memref<1x128xi32, #tpu.memory_space<vmem>>
        %dma_wait3A_35 = tpu.memref_squeeze %dma_wait3A_34 : memref<1x128xi32, #tpu.memory_space<vmem>> -> memref<128xi32, #tpu.memory_space<vmem>>
        %dma_wait3A_36 = arith.constant 0 : i32
        %dma_wait3A_37 = arith.constant 0 : i32
        %dma_wait3A_38 = tpu.memref_slice %arg7[%dma_wait3A_36, %dma_wait3A_37] : memref<10240x16xf32, #tpu.memory_space<vmem_shared>> -> memref<10240x16xf32, #tpu.memory_space<vmem_shared>>
        tpu.wait_indirect_dma semaphore(%run_scoped3A : memref<!tpu.dma_semaphore, #tpu.memory_space<semaphore_mem>>) src(%arg5 : memref<128x16xf32, #tpu.memory_space<vmem>>) dst(%dma_wait3A_38 : memref<10240x16xf32, #tpu.memory_space<vmem_shared>>)
        tpu.yield
      }) : () -> ()
    }
    %scan3A_22 = arith.constant 40 : i32
    %barrier3A_23 = arith.constant 0 : index
    tpu.barrier barrier_id(%barrier3A_23)
    %mul3A_24 = arith.constant 640 : i32
    %mul3A_25 = arith.muli %arg1, %mul3A_24 : i32
    "tpu.region"() ({
      %run_scoped3A = tpu.sem_alloc : memref<!tpu.dma_semaphore, #tpu.memory_space<semaphore_mem>>
      %dma_start3A = arith.constant 0 : i32
      %dma_start3A_28 = tpu.memref_slice %arg7[%mul3A_25, %dma_start3A] : memref<10240x16xf32, #tpu.memory_space<vmem_shared>> -> memref<640x16xf32, #tpu.memory_space<vmem_shared>>
      %dma_start3A_29 = arith.constant 0 : i32
      %dma_start3A_30 = tpu.memref_slice %arg7[%mul3A_25, %dma_start3A_29] : memref<10240x16xf32, #tpu.memory_space<vmem_shared>> -> memref<640x16xf32, #tpu.memory_space<vmem_shared>>
      tpu.enqueue_dma source(%dma_start3A_30 : memref<640x16xf32, #tpu.memory_space<vmem_shared>>) target(%arg6 : memref<640x16xf32, #tpu.memory_space<vmem>>) target_semaphore(%run_scoped3A : memref<!tpu.dma_semaphore, #tpu.memory_space<semaphore_mem>>)
      %dma_wait3A = arith.constant 0 : i32
      %dma_wait3A_31 = tpu.memref_slice %arg7[%mul3A_25, %dma_wait3A] : memref<10240x16xf32, #tpu.memory_space<vmem_shared>> -> memref<640x16xf32, #tpu.memory_space<vmem_shared>>
      %dma_wait3A_32 = arith.constant 0 : i32
      %dma_wait3A_33 = tpu.memref_slice %arg7[%mul3A_25, %dma_wait3A_32] : memref<10240x16xf32, #tpu.memory_space<vmem_shared>> -> memref<640x16xf32, #tpu.memory_space<vmem_shared>>
      tpu.wait_dma2 semaphore(%run_scoped3A : memref<!tpu.dma_semaphore, #tpu.memory_space<semaphore_mem>>) src(%dma_wait3A_33 : memref<640x16xf32, #tpu.memory_space<vmem_shared>>) dst(%arg6 : memref<640x16xf32, #tpu.memory_space<vmem>>)
      tpu.yield
    }) : () -> ()
    %mul3A_26 = arith.constant 640 : i32
    %mul3A_27 = arith.muli %arg1, %mul3A_26 : i32
    "tpu.region"() ({
      %run_scoped3A = tpu.sem_alloc : memref<!tpu.dma_semaphore, #tpu.memory_space<semaphore_mem>>
      %dma_start3A = arith.constant 0 : i32
      %dma_start3A_28 = tpu.memref_slice %arg3[%arg0, %mul3A_27, %dma_start3A] : memref<2x10240x16xf32, #tpu.memory_space<hbm>> -> memref<1x640x16xf32, #tpu.memory_space<hbm>>
      %dma_start3A_29 = tpu.memref_squeeze %dma_start3A_28 : memref<1x640x16xf32, #tpu.memory_space<hbm>> -> memref<640x16xf32, #tpu.memory_space<hbm>>
      %dma_start3A_30 = arith.constant 0 : i32
      %dma_start3A_31 = tpu.memref_slice %arg3[%arg0, %mul3A_27, %dma_start3A_30] : memref<2x10240x16xf32, #tpu.memory_space<hbm>> -> memref<1x640x16xf32, #tpu.memory_space<hbm>>
      %dma_start3A_32 = tpu.memref_squeeze %dma_start3A_31 : memref<1x640x16xf32, #tpu.memory_space<hbm>> -> memref<640x16xf32, #tpu.memory_space<hbm>>
      tpu.enqueue_dma source(%arg6 : memref<640x16xf32, #tpu.memory_space<vmem>>) target(%dma_start3A_32 : memref<640x16xf32, #tpu.memory_space<hbm>>) target_semaphore(%run_scoped3A : memref<!tpu.dma_semaphore, #tpu.memory_space<semaphore_mem>>)
      %dma_wait3A = arith.constant 0 : i32
      %dma_wait3A_33 = tpu.memref_slice %arg3[%arg0, %mul3A_27, %dma_wait3A] : memref<2x10240x16xf32, #tpu.memory_space<hbm>> -> memref<1x640x16xf32, #tpu.memory_space<hbm>>
      %dma_wait3A_34 = tpu.memref_squeeze %dma_wait3A_33 : memref<1x640x16xf32, #tpu.memory_space<hbm>> -> memref<640x16xf32, #tpu.memory_space<hbm>>
      %dma_wait3A_35 = arith.constant 0 : i32
      %dma_wait3A_36 = tpu.memref_slice %arg3[%arg0, %mul3A_27, %dma_wait3A_35] : memref<2x10240x16xf32, #tpu.memory_space<hbm>> -> memref<1x640x16xf32, #tpu.memory_space<hbm>>
      %dma_wait3A_37 = tpu.memref_squeeze %dma_wait3A_36 : memref<1x640x16xf32, #tpu.memory_space<hbm>> -> memref<640x16xf32, #tpu.memory_space<hbm>>
      tpu.wait_dma2 semaphore(%run_scoped3A : memref<!tpu.dma_semaphore, #tpu.memory_space<semaphore_mem>>) src(%arg6 : memref<640x16xf32, #tpu.memory_space<vmem>>) dst(%dma_wait3A_37 : memref<640x16xf32, #tpu.memory_space<hbm>>)
      tpu.yield
    }) : () -> ()
    return
  }
}

module attributes {stable_mosaic.version = 14 : i64} {
  func.func @_tc_dense_body(%arg0: i32, %arg1: memref<1024x256xf32, #tpu.memory_space<vmem>>, %arg2: memref<256x256xf32, #tpu.memory_space<vmem>>, %arg3: memref<256x48xf32, #tpu.memory_space<vmem>>, %arg4: memref<2x1024x16xf32, #tpu.memory_space<vmem>>, %arg5: memref<1024x48xf32, #tpu.memory_space<vmem>>, %arg6: memref<1024x48xf32, #tpu.memory_space<vmem>>) attributes {dimension_semantics = [#tpu.dimension_semantics<arbitrary>], iteration_bounds = array<i64: 10>, scalar_prefetch = 0 : i64, scratch_operands = 0 : i64, tpu.core_type = #tpu.core_type<tc>, window_params = [{transform_indices = @transform_0, window_bounds = array<i64: 1024, 256>}, {pipeline_mode = #tpu.pipeline_mode<synchronous>, transform_indices = @transform_1, window_bounds = array<i64: 256, 256>}, {pipeline_mode = #tpu.pipeline_mode<synchronous>, transform_indices = @transform_2, window_bounds = array<i64: 256, 48>}, {transform_indices = @transform_3, window_bounds = array<i64: 2, 1024, 16>}, {transform_indices = @transform_4, window_bounds = array<i64: 1024, 48>}, {transform_indices = @transform_5, window_bounds = array<i64: 1024, 48>}]} {
    %get3A = arith.constant 0 : index
    %get3A_0 = arith.constant 0 : index
    %get3A_1 = vector.load %arg1[%get3A, %get3A_0] : memref<1024x256xf32, #tpu.memory_space<vmem>>, vector<1024x256xf32>
    %mul3A = arith.mulf %get3A_1, %get3A_1 : vector<1024x256xf32>
    %reduce_sum3A = arith.constant dense<0.000000e+00> : vector<1024xf32>
    %reduce_sum3A_2 = vector.multi_reduction <add>, %mul3A, %reduce_sum3A [1] : vector<1024x256xf32> to vector<1024xf32>
    %broadcast_in_dim3A = vector.shape_cast %reduce_sum3A_2 : vector<1024xf32> to vector<1024x1xf32>
    %sqrt3A = math.sqrt %broadcast_in_dim3A : vector<1024x1xf32>
    %add3A = arith.constant 9.99999996E-13 : f32
    %add3A_3 = vector.broadcast %add3A : f32 to vector<1024x1xf32>
    %add3A_4 = arith.addf %sqrt3A, %add3A_3 : vector<1024x1xf32>
    %div3A = vector.broadcast %add3A_4 : vector<1024x1xf32> to vector<1024x256xf32>
    %div3A_5 = arith.divf %get3A_1, %div3A : vector<1024x256xf32>
    %get3A_6 = arith.constant 0 : index
    %get3A_7 = arith.constant 0 : index
    %get3A_8 = vector.load %arg2[%get3A_6, %get3A_7] : memref<256x256xf32, #tpu.memory_space<vmem>>, vector<256x256xf32>
    %dot_general3A = arith.constant dense<0.000000e+00> : vector<1024x256xf32>
    %dot_general3A_9 = tpu.matmul %div3A_5, %get3A_8, %dot_general3A {dimension_numbers = #tpu.dot_dimension_numbers<[1], [0], [0], [1], [0, 0, 1, 1], [], []>, transpose_lhs_hint = false} : vector<1024x256xf32>, vector<256x256xf32>, vector<1024x256xf32> -> vector<1024x256xf32>
    %get3A_10 = arith.constant 0 : index
    %get3A_11 = arith.constant 0 : index
    %get3A_12 = vector.load %arg3[%get3A_10, %get3A_11] : memref<256x48xf32, #tpu.memory_space<vmem>>, vector<256x48xf32>
    %dot_general3A_13 = arith.constant dense<0.000000e+00> : vector<1024x48xf32>
    %dot_general3A_14 = tpu.matmul %dot_general3A_9, %get3A_12, %dot_general3A_13 {dimension_numbers = #tpu.dot_dimension_numbers<[1], [0], [0], [1], [0, 0, 1, 1], [], []>, transpose_lhs_hint = false} : vector<1024x256xf32>, vector<256x48xf32>, vector<1024x48xf32> -> vector<1024x48xf32>
    %get3A_15 = arith.constant 0 : index
    %get3A_16 = arith.constant 0 : index
    %get3A_17 = vector.load %arg3[%get3A_15, %get3A_16] : memref<256x48xf32, #tpu.memory_space<vmem>>, vector<256x48xf32>
    %dot_general3A_18 = arith.constant dense<0.000000e+00> : vector<1024x48xf32>
    %dot_general3A_19 = tpu.matmul %div3A_5, %get3A_17, %dot_general3A_18 {dimension_numbers = #tpu.dot_dimension_numbers<[1], [0], [0], [1], [0, 0, 1, 1], [], []>, transpose_lhs_hint = false} : vector<1024x256xf32>, vector<256x48xf32>, vector<1024x48xf32> -> vector<1024x48xf32>
    %get3A_20 = arith.constant 0 : index
    %get3A_21 = arith.constant 0 : index
    %get3A_22 = arith.constant 0 : index
    %get3A_23 = vector.load %arg4[%get3A_20, %get3A_21, %get3A_22] : memref<2x1024x16xf32, #tpu.memory_space<vmem>>, vector<2x1024x16xf32>
    %slice3A = vector.extract_strided_slice %get3A_23 {offsets = [0, 0, 0], sizes = [1, 1024, 1], strides = [1, 1, 1]} : vector<2x1024x16xf32> to vector<1x1024x1xf32>
    %squeeze3A = vector.shape_cast %slice3A : vector<1x1024x1xf32> to vector<1024x1xf32>
    %add3A_24 = arith.constant 1.000000e+00 : f32
    %add3A_25 = vector.broadcast %add3A_24 : f32 to vector<1024x1xf32>
    %add3A_26 = arith.addf %add3A_25, %squeeze3A : vector<1024x1xf32>
    %slice3A_27 = vector.extract_strided_slice %get3A_23 {offsets = [1, 0, 0], sizes = [1, 1024, 1], strides = [1, 1, 1]} : vector<2x1024x16xf32> to vector<1x1024x1xf32>
    %squeeze3A_28 = vector.shape_cast %slice3A_27 : vector<1x1024x1xf32> to vector<1024x1xf32>
    %add3A_29 = arith.addf %add3A_26, %squeeze3A_28 : vector<1024x1xf32>
    %rsqrt3A = math.rsqrt %add3A_29 : vector<1024x1xf32>
    %mul3A_30 = vector.broadcast %rsqrt3A : vector<1024x1xf32> to vector<1024x48xf32>
    %mul3A_31 = arith.mulf %mul3A_30, %dot_general3A_14 : vector<1024x48xf32>
    %swap3A = arith.constant 0 : index
    %swap3A_32 = arith.constant 0 : index
    %swap3A_33 = vector.load %arg5[%swap3A, %swap3A_32] : memref<1024x48xf32, #tpu.memory_space<vmem>>, vector<1024x48xf32>
    tpu.vector_store %arg5[%swap3A, %swap3A_32], %mul3A_31 {strides = array<i32>} : memref<1024x48xf32, #tpu.memory_space<vmem>>, vector<1024x48xf32>,
    %iota3A = tpu.iota {dimensions = array<i32: 1>} : vector<1024x48xi32>
    %eq3A = arith.constant 40 : i32
    %eq3A_34 = vector.broadcast %eq3A : i32 to vector<1024x48xi32>
    %eq3A_35 = arith.cmpi eq, %iota3A, %eq3A_34 : vector<1024x48xi32>
    %broadcast_in_dim3A_36 = vector.shape_cast %rsqrt3A : vector<1024x1xf32> to vector<1024x1xf32>
    %broadcast_in_dim3A_37 = vector.broadcast %broadcast_in_dim3A_36 : vector<1024x1xf32> to vector<1024x48xf32>
    %select_n3A = arith.select %eq3A_35, %broadcast_in_dim3A_37, %dot_general3A_19 : vector<1024x48xi1>, vector<1024x48xf32>
    %swap3A_38 = arith.constant 0 : index
    %swap3A_39 = arith.constant 0 : index
    %swap3A_40 = vector.load %arg6[%swap3A_38, %swap3A_39] : memref<1024x48xf32, #tpu.memory_space<vmem>>, vector<1024x48xf32>
    tpu.vector_store %arg6[%swap3A_38, %swap3A_39], %select_n3A {strides = array<i32>} : memref<1024x48xf32, #tpu.memory_space<vmem>>, vector<1024x48xf32>,
    return
  }
  func.func @transform_0(%arg0: i32) -> (i32, i32) {
    %c0_i32 = arith.constant 0 : i32
    %c0_i32_0 = arith.constant 0 : i32
    return %arg0, %c0_i32 : i32, i32
  }
  func.func @transform_1(%arg0: i32) -> (i32, i32) {
    %c0_i32 = arith.constant 0 : i32
    %c0_i32_0 = arith.constant 0 : i32
    %c0_i32_1 = arith.constant 0 : i32
    return %c0_i32, %c0_i32_0 : i32, i32
  }
  func.func @transform_2(%arg0: i32) -> (i32, i32) {
    %c0_i32 = arith.constant 0 : i32
    %c0_i32_0 = arith.constant 0 : i32
    %c0_i32_1 = arith.constant 0 : i32
    return %c0_i32, %c0_i32_0 : i32, i32
  }
  func.func @transform_3(%arg0: i32) -> (i32, i32, i32) {
    %c0_i32 = arith.constant 0 : i32
    %c0_i32_0 = arith.constant 0 : i32
    %c0_i32_1 = arith.constant 0 : i32
    return %c0_i32, %arg0, %c0_i32_0 : i32, i32, i32
  }
  func.func @transform_4(%arg0: i32) -> (i32, i32) {
    %c0_i32 = arith.constant 0 : i32
    %c0_i32_0 = arith.constant 0 : i32
    return %arg0, %c0_i32 : i32, i32
  }
  func.func @transform_5(%arg0: i32) -> (i32, i32) {
    %c0_i32 = arith.constant 0 : i32
    %c0_i32_0 = arith.constant 0 : i32
    return %arg0, %c0_i32 : i32, i32
  }
}

module attributes {stable_mosaic.version = 14 : i64} {
  func.func @_tc_final_body(%arg0: i32, %arg1: memref<2x1024x48xf32, #tpu.memory_space<vmem>>, %arg2: memref<1024x48xf32, #tpu.memory_space<vmem>>, %arg3: memref<1024x48xf32, #tpu.memory_space<vmem>>, %arg4: memref<1x256xf32, #tpu.memory_space<vmem>>, %arg5: memref<256x48xf32, #tpu.memory_space<vmem>>, %arg6: memref<1024x4xf32, #tpu.memory_space<vmem>>) attributes {dimension_semantics = [#tpu.dimension_semantics<arbitrary>], iteration_bounds = array<i64: 10>, scalar_prefetch = 0 : i64, scratch_operands = 0 : i64, tpu.core_type = #tpu.core_type<tc>, window_params = [{transform_indices = @transform_0, window_bounds = array<i64: 2, 1024, 48>}, {transform_indices = @transform_1, window_bounds = array<i64: 1024, 48>}, {transform_indices = @transform_2, window_bounds = array<i64: 1024, 48>}, {pipeline_mode = #tpu.pipeline_mode<synchronous>, transform_indices = @transform_3, window_bounds = array<i64: 1, 256>}, {pipeline_mode = #tpu.pipeline_mode<synchronous>, transform_indices = @transform_4, window_bounds = array<i64: 256, 48>}, {transform_indices = @transform_5, window_bounds = array<i64: 1024, 4>}]} {
    %iota3A = tpu.iota {dimensions = array<i32: 0>} : vector<48x4xi32>
    %iota3A_0 = tpu.iota {dimensions = array<i32: 1>} : vector<48x4xi32>
    %jit3A = arith.constant 10 : i32
    %div3A = vector.broadcast %jit3A : i32 to vector<48x4xi32>
    %div3A_1 = arith.divsi %iota3A, %div3A : vector<48x4xi32>
    %sign3A = arith.constant 0 : i32
    %sign3A_2 = vector.broadcast %sign3A : i32 to vector<48x4xi32>
    %sign3A_3 = arith.cmpi sgt, %iota3A, %sign3A_2 : vector<48x4xi32>
    %sign3A_4 = arith.extui %sign3A_3 : vector<48x4xi1> to vector<48x4xi32>
    %sign3A_5 = arith.constant 0 : i32
    %sign3A_6 = vector.broadcast %sign3A_5 : i32 to vector<48x4xi32>
    %sign3A_7 = arith.cmpi slt, %iota3A, %sign3A_6 : vector<48x4xi32>
    %sign3A_8 = arith.extui %sign3A_7 : vector<48x4xi1> to vector<48x4xi32>
    %sign3A_9 = arith.subi %sign3A_4, %sign3A_8 : vector<48x4xi32>
    %sign3A_10 = arith.constant 0 : i32
    %sign3A_11 = arith.cmpi sgt, %jit3A, %sign3A_10 : i32
    %sign3A_12 = arith.extui %sign3A_11 : i1 to i32
    %sign3A_13 = arith.constant 0 : i32
    %sign3A_14 = arith.cmpi slt, %jit3A, %sign3A_13 : i32
    %sign3A_15 = arith.extui %sign3A_14 : i1 to i32
    %sign3A_16 = arith.subi %sign3A_12, %sign3A_15 : i32
    %ne3A = vector.broadcast %sign3A_16 : i32 to vector<48x4xi32>
    %ne3A_17 = arith.cmpi ne, %sign3A_9, %ne3A : vector<48x4xi32>
    %rem3A = vector.broadcast %jit3A : i32 to vector<48x4xi32>
    %rem3A_18 = arith.remsi %iota3A, %rem3A : vector<48x4xi32>
    %ne3A_19 = arith.constant 0 : i32
    %ne3A_20 = vector.broadcast %ne3A_19 : i32 to vector<48x4xi32>
    %ne3A_21 = arith.cmpi ne, %rem3A_18, %ne3A_20 : vector<48x4xi32>
    %and3A = arith.andi %ne3A_17, %ne3A_21 : vector<48x4xi1>
    %sub3A = arith.constant 1 : i32
    %sub3A_22 = vector.broadcast %sub3A : i32 to vector<48x4xi32>
    %sub3A_23 = arith.subi %div3A_1, %sub3A_22 : vector<48x4xi32>
    %select_n3A = arith.select %and3A, %sub3A_23, %div3A_1 : vector<48x4xi1>, vector<48x4xi32>
    %eq3A = arith.cmpi eq, %select_n3A, %iota3A_0 : vector<48x4xi32>
    %lt3A = arith.constant 40 : i32
    %lt3A_24 = vector.broadcast %lt3A : i32 to vector<48x4xi32>
    %lt3A_25 = arith.cmpi slt, %iota3A, %lt3A_24 : vector<48x4xi32>
    %and3A_26 = arith.andi %eq3A, %lt3A_25 : vector<48x4xi1>
    %jit3A_27 = arith.constant 1.000000e+00 : f32
    %jit3A_28 = arith.constant 0.000000e+00 : f32
    %broadcast_in_dim3A = vector.broadcast %jit3A_27 : f32 to vector<48x4xf32>
    %broadcast_in_dim3A_29 = vector.broadcast %jit3A_28 : f32 to vector<48x4xf32>
    %select_n3A_30 = arith.select %and3A_26, %broadcast_in_dim3A, %broadcast_in_dim3A_29 : vector<48x4xi1>, vector<48x4xf32>
    %iota3A_31 = tpu.iota {dimensions = array<i32: 0>} : vector<4x48xi32>
    %iota3A_32 = tpu.iota {dimensions = array<i32: 1>} : vector<4x48xi32>
    %jit3A_33 = arith.constant 10 : i32
    %div3A_34 = vector.broadcast %jit3A_33 : i32 to vector<4x48xi32>
    %div3A_35 = arith.divsi %iota3A_32, %div3A_34 : vector<4x48xi32>
    %sign3A_36 = arith.constant 0 : i32
    %sign3A_37 = vector.broadcast %sign3A_36 : i32 to vector<4x48xi32>
    %sign3A_38 = arith.cmpi sgt, %iota3A_32, %sign3A_37 : vector<4x48xi32>
    %sign3A_39 = arith.extui %sign3A_38 : vector<4x48xi1> to vector<4x48xi32>
    %sign3A_40 = arith.constant 0 : i32
    %sign3A_41 = vector.broadcast %sign3A_40 : i32 to vector<4x48xi32>
    %sign3A_42 = arith.cmpi slt, %iota3A_32, %sign3A_41 : vector<4x48xi32>
    %sign3A_43 = arith.extui %sign3A_42 : vector<4x48xi1> to vector<4x48xi32>
    %sign3A_44 = arith.subi %sign3A_39, %sign3A_43 : vector<4x48xi32>
    %sign3A_45 = arith.constant 0 : i32
    %sign3A_46 = arith.cmpi sgt, %jit3A_33, %sign3A_45 : i32
    %sign3A_47 = arith.extui %sign3A_46 : i1 to i32
    %sign3A_48 = arith.constant 0 : i32
    %sign3A_49 = arith.cmpi slt, %jit3A_33, %sign3A_48 : i32
    %sign3A_50 = arith.extui %sign3A_49 : i1 to i32
    %sign3A_51 = arith.subi %sign3A_47, %sign3A_50 : i32
    %ne3A_52 = vector.broadcast %sign3A_51 : i32 to vector<4x48xi32>
    %ne3A_53 = arith.cmpi ne, %sign3A_44, %ne3A_52 : vector<4x48xi32>
    %rem3A_54 = vector.broadcast %jit3A_33 : i32 to vector<4x48xi32>
    %rem3A_55 = arith.remsi %iota3A_32, %rem3A_54 : vector<4x48xi32>
    %ne3A_56 = arith.constant 0 : i32
    %ne3A_57 = vector.broadcast %ne3A_56 : i32 to vector<4x48xi32>
    %ne3A_58 = arith.cmpi ne, %rem3A_55, %ne3A_57 : vector<4x48xi32>
    %and3A_59 = arith.andi %ne3A_53, %ne3A_58 : vector<4x48xi1>
    %sub3A_60 = arith.constant 1 : i32
    %sub3A_61 = vector.broadcast %sub3A_60 : i32 to vector<4x48xi32>
    %sub3A_62 = arith.subi %div3A_35, %sub3A_61 : vector<4x48xi32>
    %select_n3A_63 = arith.select %and3A_59, %sub3A_62, %div3A_35 : vector<4x48xi1>, vector<4x48xi32>
    %eq3A_64 = arith.cmpi eq, %select_n3A_63, %iota3A_31 : vector<4x48xi32>
    %lt3A_65 = arith.constant 40 : i32
    %lt3A_66 = vector.broadcast %lt3A_65 : i32 to vector<4x48xi32>
    %lt3A_67 = arith.cmpi slt, %iota3A_32, %lt3A_66 : vector<4x48xi32>
    %and3A_68 = arith.andi %eq3A_64, %lt3A_67 : vector<4x48xi1>
    %jit3A_69 = arith.constant 1.000000e+00 : f32
    %jit3A_70 = arith.constant 0.000000e+00 : f32
    %broadcast_in_dim3A_71 = vector.broadcast %jit3A_69 : f32 to vector<4x48xf32>
    %broadcast_in_dim3A_72 = vector.broadcast %jit3A_70 : f32 to vector<4x48xf32>
    %select_n3A_73 = arith.select %and3A_68, %broadcast_in_dim3A_71, %broadcast_in_dim3A_72 : vector<4x48xi1>, vector<4x48xf32>
    %iota3A_74 = tpu.iota {dimensions = array<i32: 1>} : vector<1x48xi32>
    %lt3A_75 = arith.constant 40 : i32
    %lt3A_76 = vector.broadcast %lt3A_75 : i32 to vector<1x48xi32>
    %lt3A_77 = arith.cmpi slt, %iota3A_74, %lt3A_76 : vector<1x48xi32>
    %convert_element_type3A = arith.extui %lt3A_77 : vector<1x48xi1> to vector<1x48xi32>
    %convert_element_type3A_78 = arith.sitofp %convert_element_type3A : vector<1x48xi32> to vector<1x48xf32>
    %get3A = arith.constant 0 : index
    %get3A_79 = arith.constant 0 : index
    %get3A_80 = arith.constant 0 : index
    %get3A_81 = vector.load %arg1[%get3A, %get3A_79, %get3A_80] : memref<2x1024x48xf32, #tpu.memory_space<vmem>>, vector<2x1024x48xf32>
    %slice3A = vector.extract_strided_slice %get3A_81 {offsets = [0, 0, 0], sizes = [1, 1024, 48], strides = [1, 1, 1]} : vector<2x1024x48xf32> to vector<1x1024x48xf32>
    %squeeze3A = vector.shape_cast %slice3A : vector<1x1024x48xf32> to vector<1024x48xf32>
    %slice3A_82 = vector.extract_strided_slice %get3A_81 {offsets = [1, 0, 0], sizes = [1, 1024, 48], strides = [1, 1, 1]} : vector<2x1024x48xf32> to vector<1x1024x48xf32>
    %squeeze3A_83 = vector.shape_cast %slice3A_82 : vector<1x1024x48xf32> to vector<1024x48xf32>
    %add3A = arith.addf %squeeze3A, %squeeze3A_83 : vector<1024x48xf32>
    %get3A_84 = arith.constant 0 : index
    %get3A_85 = arith.constant 0 : index
    %get3A_86 = vector.load %arg2[%get3A_84, %get3A_85] : memref<1024x48xf32, #tpu.memory_space<vmem>>, vector<1024x48xf32>
    %add3A_87 = arith.addf %add3A, %get3A_86 : vector<1024x48xf32>
    %get3A_88 = arith.constant 0 : index
    %get3A_89 = arith.constant 0 : index
    %get3A_90 = vector.load %arg3[%get3A_88, %get3A_89] : memref<1024x48xf32, #tpu.memory_space<vmem>>, vector<1024x48xf32>
    %slice3A_91 = vector.extract_strided_slice %get3A_90 {offsets = [0, 40], sizes = [1024, 1], strides = [1, 1]} : vector<1024x48xf32> to vector<1024x1xf32>
    %get3A_92 = arith.constant 0 : index
    %get3A_93 = arith.constant 0 : index
    %get3A_94 = vector.load %arg4[%get3A_92, %get3A_93] : memref<1x256xf32, #tpu.memory_space<vmem>>, vector<1x256xf32>
    %get3A_95 = arith.constant 0 : index
    %get3A_96 = arith.constant 0 : index
    %get3A_97 = vector.load %arg5[%get3A_95, %get3A_96] : memref<256x48xf32, #tpu.memory_space<vmem>>, vector<256x48xf32>
    %dot_general3A = arith.constant dense<0.000000e+00> : vector<1x48xf32>
    %dot_general3A_98 = tpu.matmul %get3A_94, %get3A_97, %dot_general3A {dimension_numbers = #tpu.dot_dimension_numbers<[1], [0], [0], [1], [0, 0, 1, 1], [], []>, transpose_lhs_hint = false} : vector<1x256xf32>, vector<256x48xf32>, vector<1x48xf32> -> vector<1x48xf32>
    %mul3A = vector.broadcast %slice3A_91 : vector<1024x1xf32> to vector<1024x48xf32>
    %mul3A_99 = arith.mulf %mul3A, %add3A_87 : vector<1024x48xf32>
    %add3A_100 = vector.broadcast %dot_general3A_98 : vector<1x48xf32> to vector<1024x48xf32>
    %add3A_101 = arith.addf %mul3A_99, %add3A_100 : vector<1024x48xf32>
    %slice3A_102 = vector.extract_strided_slice %add3A_101 {offsets = [0, 0], sizes = [1024, 10], strides = [1, 1]} : vector<1024x48xf32> to vector<1024x10xf32>
    %reduce_max3A = arith.constant dense<0xFF800000> : vector<1024xf32>
    %reduce_max3A_103 = vector.multi_reduction <maximumf>, %slice3A_102, %reduce_max3A [1] : vector<1024x10xf32> to vector<1024xf32>
    %broadcast_in_dim3A_104 = vector.shape_cast %reduce_max3A_103 : vector<1024xf32> to vector<1024x1xf32>
    %slice3A_105 = vector.extract_strided_slice %add3A_101 {offsets = [0, 10], sizes = [1024, 10], strides = [1, 1]} : vector<1024x48xf32> to vector<1024x10xf32>
    %reduce_max3A_106 = arith.constant dense<0xFF800000> : vector<1024xf32>
    %reduce_max3A_107 = vector.multi_reduction <maximumf>, %slice3A_105, %reduce_max3A_106 [1] : vector<1024x10xf32> to vector<1024xf32>
    %broadcast_in_dim3A_108 = vector.shape_cast %reduce_max3A_107 : vector<1024xf32> to vector<1024x1xf32>
    %slice3A_109 = vector.extract_strided_slice %add3A_101 {offsets = [0, 20], sizes = [1024, 10], strides = [1, 1]} : vector<1024x48xf32> to vector<1024x10xf32>
    %reduce_max3A_110 = arith.constant dense<0xFF800000> : vector<1024xf32>
    %reduce_max3A_111 = vector.multi_reduction <maximumf>, %slice3A_109, %reduce_max3A_110 [1] : vector<1024x10xf32> to vector<1024xf32>
    %broadcast_in_dim3A_112 = vector.shape_cast %reduce_max3A_111 : vector<1024xf32> to vector<1024x1xf32>
    %slice3A_113 = vector.extract_strided_slice %add3A_101 {offsets = [0, 30], sizes = [1024, 10], strides = [1, 1]} : vector<1024x48xf32> to vector<1024x10xf32>
    %reduce_max3A_114 = arith.constant dense<0xFF800000> : vector<1024xf32>
    %reduce_max3A_115 = vector.multi_reduction <maximumf>, %slice3A_113, %reduce_max3A_114 [1] : vector<1024x10xf32> to vector<1024xf32>
    %broadcast_in_dim3A_116 = vector.shape_cast %reduce_max3A_115 : vector<1024xf32> to vector<1024x1xf32>
    %concatenate3A = tpu.concatenate %broadcast_in_dim3A_104, %broadcast_in_dim3A_108, %broadcast_in_dim3A_112, %broadcast_in_dim3A_116 in 1 : vector<1024x1xf32>, vector<1024x1xf32>, vector<1024x1xf32>, vector<1024x1xf32> -> vector<1024x4xf32>
    %dot_general3A_117 = arith.constant dense<0.000000e+00> : vector<1024x48xf32>
    %dot_general3A_118 = tpu.matmul %concatenate3A, %select_n3A_73, %dot_general3A_117 {dimension_numbers = #tpu.dot_dimension_numbers<[1], [0], [0], [1], [0, 0, 1, 1], [], []>, transpose_lhs_hint = false} : vector<1024x4xf32>, vector<4x48xf32>, vector<1024x48xf32> -> vector<1024x48xf32>
    %sub3A_119 = arith.subf %add3A_101, %dot_general3A_118 : vector<1024x48xf32>
    %exp3A = math.exp %sub3A_119 : vector<1024x48xf32>
    %mul3A_120 = vector.broadcast %convert_element_type3A_78 : vector<1x48xf32> to vector<1024x48xf32>
    %mul3A_121 = arith.mulf %exp3A, %mul3A_120 : vector<1024x48xf32>
    %dot_general3A_122 = arith.constant dense<0.000000e+00> : vector<1024x4xf32>
    %dot_general3A_123 = tpu.matmul %mul3A_121, %select_n3A_30, %dot_general3A_122 {dimension_numbers = #tpu.dot_dimension_numbers<[1], [0], [0], [1], [0, 0, 1, 1], [], []>, transpose_lhs_hint = false} : vector<1024x48xf32>, vector<48x4xf32>, vector<1024x4xf32> -> vector<1024x4xf32>
    %mul3A_124 = arith.mulf %mul3A_121, %get3A_90 : vector<1024x48xf32>
    %dot_general3A_125 = arith.constant dense<0.000000e+00> : vector<1024x4xf32>
    %dot_general3A_126 = tpu.matmul %mul3A_124, %select_n3A_30, %dot_general3A_125 {dimension_numbers = #tpu.dot_dimension_numbers<[1], [0], [0], [1], [0, 0, 1, 1], [], []>, transpose_lhs_hint = false} : vector<1024x48xf32>, vector<48x4xf32>, vector<1024x4xf32> -> vector<1024x4xf32>
    %div3A_127 = arith.divf %dot_general3A_126, %dot_general3A_123 : vector<1024x4xf32>
    %reduce_max3A_128 = arith.constant dense<0xFF800000> : vector<1024xf32>
    %reduce_max3A_129 = vector.multi_reduction <maximumf>, %div3A_127, %reduce_max3A_128 [1] : vector<1024x4xf32> to vector<1024xf32>
    %broadcast_in_dim3A_130 = vector.shape_cast %reduce_max3A_129 : vector<1024xf32> to vector<1024x1xf32>
    %sub3A_131 = vector.broadcast %broadcast_in_dim3A_130 : vector<1024x1xf32> to vector<1024x4xf32>
    %sub3A_132 = arith.subf %div3A_127, %sub3A_131 : vector<1024x4xf32>
    %exp3A_133 = math.exp %sub3A_132 : vector<1024x4xf32>
    %reduce_sum3A = arith.constant dense<0.000000e+00> : vector<1024xf32>
    %reduce_sum3A_134 = vector.multi_reduction <add>, %exp3A_133, %reduce_sum3A [1] : vector<1024x4xf32> to vector<1024xf32>
    %broadcast_in_dim3A_135 = vector.shape_cast %reduce_sum3A_134 : vector<1024xf32> to vector<1024x1xf32>
    %div3A_136 = vector.broadcast %broadcast_in_dim3A_135 : vector<1024x1xf32> to vector<1024x4xf32>
    %div3A_137 = arith.divf %exp3A_133, %div3A_136 : vector<1024x4xf32>
    %swap3A = arith.constant 0 : index
    %swap3A_138 = arith.constant 0 : index
    %swap3A_139 = vector.load %arg6[%swap3A, %swap3A_138] : memref<1024x4xf32, #tpu.memory_space<vmem>>, vector<1024x4xf32>
    tpu.vector_store %arg6[%swap3A, %swap3A_138], %div3A_137 {strides = array<i32>} : memref<1024x4xf32, #tpu.memory_space<vmem>>, vector<1024x4xf32>,
    return
  }
  func.func @transform_0(%arg0: i32) -> (i32, i32, i32) {
    %c0_i32 = arith.constant 0 : i32
    %c0_i32_0 = arith.constant 0 : i32
    %c0_i32_1 = arith.constant 0 : i32
    return %c0_i32, %arg0, %c0_i32_0 : i32, i32, i32
  }
  func.func @transform_1(%arg0: i32) -> (i32, i32) {
    %c0_i32 = arith.constant 0 : i32
    %c0_i32_0 = arith.constant 0 : i32
    return %arg0, %c0_i32 : i32, i32
  }
  func.func @transform_2(%arg0: i32) -> (i32, i32) {
    %c0_i32 = arith.constant 0 : i32
    %c0_i32_0 = arith.constant 0 : i32
    return %arg0, %c0_i32 : i32, i32
  }
  func.func @transform_3(%arg0: i32) -> (i32, i32) {
    %c0_i32 = arith.constant 0 : i32
    %c0_i32_0 = arith.constant 0 : i32
    %c0_i32_1 = arith.constant 0 : i32
    return %c0_i32, %c0_i32_0 : i32, i32
  }
  func.func @transform_4(%arg0: i32) -> (i32, i32) {
    %c0_i32 = arith.constant 0 : i32
    %c0_i32_0 = arith.constant 0 : i32
    %c0_i32_1 = arith.constant 0 : i32
    return %c0_i32, %c0_i32_0 : i32, i32
  }
  func.func @transform_5(%arg0: i32) -> (i32, i32) {
    %c0_i32 = arith.constant 0 : i32
    %c0_i32_0 = arith.constant 0 : i32
    return %arg0, %c0_i32 : i32, i32
  }
}

</mosaic_0001>

<sc_bundles>
// kernel: kernel.6.cloned.1.call-start
scs
__scs_entry_jumppad:
0x0: {  	(pc) =	sbr.rel $0x88, $3  }
0x1: {  	(tag) =	ssettag $0x0;
	lr =	simm.s32 $0x1  }
0x2: {  	[smem:$0x3F9C] =	sst lr;
	_ =	strace $0xD0000000  }
0x3: {  	_ = 	snop  }
0x4: {  	_ = 	snop  }
0x5: {  	_ = 	snop  }
0x6: {  	_ = 	snop  }
0x7: {  	_ = 	snop  }
__scs_overlays_trampoline_lowered:
0x8: {  	[smem:$0x3FAB] =	sst s0  }
0x9: {  	[smem:$0x3FAC] =	sst s1  }
0xa: {  	[smem:$0x3FAD] =	sst s2  }
0xb: {  	[smem:$0x3FAE] =	sst s3  }
0xc: {  	[smem:$0x3FAF] =	sst s4  }
0xd: {  	[smem:$0x3FB0] =	sst s5  }
0xe: {  	[smem:$0x3FB1] =	sst s6  }
0xf: {  	[smem:$0x3FB2] =	sst s7  }
0x10: {  	[smem:$0x3FB3] =	sst s8  }
0x11: {  	[smem:$0x3FB4] =	sst s9;
	s0 =	simm.s32 @!p0 $0x0  }
0x12: {  	s1 =	sld [smem:$0x3F9A];
	s0 =	simm.s32 @p0 $0x1  }
0x13: {  	[smem:$0x3FB5] =	sst s0;
	s0 =	simm.s32 @!p1 $0x0  }
0x14: {  	s2 =	sld [smem:$0x3F99];
	s0 =	simm.s32 @p1 $0x1  }
0x15: {  	[smem:$0x3FB6] =	sst s0;
	s0 =	simm.s32 @!p2 $0x0  }
0x16: {  	s3 =	sld [smem:$0x3FDB];
	s0 =	simm.s32 @p2 $0x1  }
0x17: {  	s4 =	simm.s32 $0x1BF5;
	[smem:$0x3FB8] =	sst s0  }
0x18: {  	s0 =	sld [smem:$0x3F9B];
	_ =	swait.ge [sflag:s4], $0x0  }
0x19: {  	s7 =	sld [smem:$0x3F9C]  }
0x1a: {  	s8 =	sadd.s32 $0xFFFFE003, lr  }
0x1b: {  	s9 =	sadd.s32 $0xFFFFFEF7, lr;
	s5 =	simm.s32 $0xFFFFFFFF;
	p2 =	slt.u32 s8, $0xFFFFF086  }
0x1c: {  	p1 =	slt.u32 s9, $0xF7A;
	s5 =	simm.s32 @!p2 $0x0  }
0x1d: {  	s5 =	simm.s32 @p1 $0x1;
	p0 =	seq.s32 s7, s2  }
0x1e: {  	s7 =	smul.u32 @!p0 $0xF7A, s2;
	p2 =	seq.s32 @!p0 s5, $0x0  }
0x1f: {  	s9 =	smul.u32 $0xF7A, s1;
	s8 =	simm.s32 @!p0 $0x1BF5;
	p2 =	por !p2, p0  }
0x20: {  	[sflag:s8] =	ssyncset.s32 @!p0 $0xFFFFF086;
	s6 =	sadd.s32 @!p0 s3, s7;
	s7 =	simm.s32 @!p0 $0x108  }
0x21: {  	s3 =	sadd.s32 s3, s9;
	s6 =	sadd.s32 @!p0 $0x88, s6;
	s7 =	simm.s32 @p2 $0x1082  }
0x22: {  	[simem:s7], [sflag:s8] =	dma.local @!p0 [hbm:s6], $0xF7A  }
0x23: {  	s9 =	sor.u32 $0xD0000000, s2;
	s6 =	simm.s32 $0x108;
	_ =	swait.ge @!p0 [sflag:s8], $0x0  }
0x24: {  	s3 =	sadd.s32 $0x88, s3;
	s6 =	simm.s32 @!p1 $0x1082;
	[sflag:s4] =	ssyncset.s32 $0xFFFFF086  }
0x25: {  	[simem:s6], [sflag:s4] =	dma.local [hbm:s3], $0xF7A  }
0x26: {  	[smem:$0x3F9C] =	sst s1;
	(tag) =	ssettag s2;
	_ =	strace s9  }
0x27: {  	s1 =	sld [smem:$0x3FAC]  }
0x28: {  	s2 =	sld [smem:$0x3FAD]  }
0x29: {  	s4 =	sld [smem:$0x3FAF]  }
0x2a: {  	p0 =	seq.s32 s5, $0x0;
	s5 =	sld [smem:$0x3FB0]  }
0x2b: {  	s6 =	sld [smem:$0x3FB1]  }
0x2c: {  	s7 =	sld [smem:$0x3FB2]  }
0x2d: {  	s3 =	simm.s32 $0x108;
	s8 =	sld [smem:$0x3FB3]  }
0x2e: {  	s3 =	simm.s32 @!p0 $0x1082;
	s9 =	sld [smem:$0x3FB4]  }
0x2f: {  	lr =	sadd.s32 s0, s3;
	s0 =	sld [smem:$0x3FAB]  }
0x30: {  	s3 =	sld [smem:$0x3FAE]  }
0x31: {  	[smem:$0x3FB7] =	sst s10  }
0x32: {  	s10 =	sld [smem:$0x3FB5];
	_ =	sdelay $0x3  }
0x33: {  	p0 =	seq.s32 s10, $0x1;
	s10 =	sld [smem:$0x3FB7];
	_ =	sdelay $0x3  }
0x34: {  	[smem:$0x3FB7] =	sst s10  }
0x35: {  	s10 =	sld [smem:$0x3FB6];
	_ =	sdelay $0x3  }
0x36: {  	p1 =	seq.s32 s10, $0x1;
	s10 =	sld [smem:$0x3FB7];
	_ =	sdelay $0x3  }
0x37: {  	[smem:$0x3FB7] =	sst s10  }
0x38: {  	s10 =	sld [smem:$0x3FB8]  }
0x39: {  	_ = 	snop;
	(pc) =	sbr.ind lr, $3  }
0x3a: {  	_ = 	snop  }
0x3b: {  	_ = 	snop  }
0x3c: {  	p2 =	seq.s32 s10, $0x1;
	s10 =	sld [smem:$0x3FB7]  }
0x3d: {  	_ =	shalt  }
0x3e: {  	_ =	shalt  }
0x3f: {  	_ =	shalt  }
0x40: {  	_ =	shalt  }
0x41: {  	_ =	shalt  }
0x42: {  	_ =	shalt  }
0x43: {  	_ =	shalt  }
0x44: {  	_ =	shalt  }
0x45: {  	_ =	shalt  }
0x46: {  	_ =	shalt  }
0x47: {  	_ =	shalt  }
0x48: {  	_ =	shalt  }
0x49: {  	_ =	shalt  }
0x4a: {  	_ =	shalt  }
0x4b: {  	_ =	shalt  }
0x4c: {  	_ =	shalt  }
0x4d: {  	_ =	shalt  }
0x4e: {  	_ =	shalt  }
0x4f: {  	_ =	shalt  }
0x50: {  	_ =	shalt  }
0x51: {  	_ =	shalt  }
0x52: {  	_ =	shalt  }
0x53: {  	_ =	shalt  }
0x54: {  	_ =	shalt  }
0x55: {  	_ =	shalt  }
0x56: {  	_ =	shalt  }
0x57: {  	_ =	shalt  }
0x58: {  	_ =	shalt  }
0x59: {  	_ =	shalt  }
0x5a: {  	_ =	shalt  }
0x5b: {  	_ =	shalt  }
0x5c: {  	_ =	shalt  }
0x5d: {  	_ =	shalt  }
0x5e: {  	_ =	shalt  }
0x5f: {  	_ =	shalt  }
0x60: {  	_ =	shalt  }
0x61: {  	_ =	shalt  }
0x62: {  	_ =	shalt  }
0x63: {  	_ =	shalt  }
0x64: {  	_ =	shalt  }
0x65: {  	_ =	shalt  }
0x66: {  	_ =	shalt  }
0x67: {  	_ =	shalt  }
0x68: {  	_ =	shalt  }
0x69: {  	_ =	shalt  }
0x6a: {  	_ =	shalt  }
0x6b: {  	_ =	shalt  }
0x6c: {  	_ =	shalt  }
0x6d: {  	_ =	shalt  }
0x6e: {  	_ =	shalt  }
0x6f: {  	_ =	shalt  }
0x70: {  	_ =	shalt  }
0x71: {  	_ =	shalt  }
0x72: {  	_ =	shalt  }
0x73: {  	_ =	shalt  }
0x74: {  	_ =	shalt  }
0x75: {  	_ =	shalt  }
0x76: {  	_ =	shalt  }
0x77: {  	_ =	shalt  }
0x78: {  	_ =	shalt  }
0x79: {  	_ =	shalt  }
0x7a: {  	_ =	shalt  }
0x7b: {  	_ =	shalt  }
0x7c: {  	_ =	shalt  }
0x7d: {  	_ =	shalt  }
0x7e: {  	_ =	shalt  }
0x7f: {  	_ =	shalt  }
0x80: {  	_ =	shalt  }
0x81: {  	_ =	shalt  }
0x82: {  	_ =	shalt  }
0x83: {  	_ =	shalt  }
0x84: {  	_ =	shalt  }
0x85: {  	_ =	shalt  }
0x86: {  	_ =	shalt  }
0x87: {  	_ =	shalt  }
.Lfunc_end0:
.L_simem_size_0:
called_computation_lowered:
.L_overlay_start_0:
0x88: {  	s2 =	sld [smem:$0x3FD9]  }
0x89: {  	s3 =	sld [smem:$0x3FFE];
	_ =	sdelay $0x1  }
0x8a: {  	s1 =	srdreg.scid  }
0x8b: {  	s0 =	sand.u32 $0x1, s1  }
0x8c: {  	s16 =	sshll.u32 s0, $0xA;
	s2 =	sadd.s32 s3, s2  }
0x8d: {  	s2 =	sadd.s32 s2, s16  }
0x8e: {  	[smem:$0x3FC3] =	sst s2  }
0x8f: {  	_ = 	snop  }
0x90: {  	(tm) =	ssettm $0x1  }
0x91: {  	s17 =	sld [smem:$0x3FFB];
	_ =	sdelay $0x3  }
0x92: {  	_ =	strace s17  }
0x93: {  	s2 =	sld [smem:$0x3FFC];
	_ =	sdelay $0x3  }
0x94: {  	_ =	strace s2  }
0x95: {  	s2 =	sld [smem:$0x3FFD];
	_ =	sdelay $0x3  }
0x96: {  	_ =	strace s2  }
0x97: {  	_ =	strace $0x8FFFFFFF  }
0x98: {  	s18 =	sld [smem:$0x3FDB];
	_ =	sdelay $0x1  }
0x99: {  	s19 =	simm.s32 $_scs_section_size  }
0x9a: {  	s4 =	simm.s32 $_size__tile_overlayer_lowered;
	s5 =	simm.s32 $_tile_overlayer_lowered  }
0x9b: {  	s22 =	simm.s32 $0x1BFF;
	s21 =	sshll.u32 s5, $0x1;
	s2 =	sadd.s32 s19, s18  }
0x9c: {  	s6 =	simm.s32 $0x0;
	s20 =	sshll.u32 s4, $0x1;
	s4 =	sadd.s32 s21, s2  }
0x9d: {  	[timem:s6], [sflag:s22] =	dma.local [hbm:s4], s20  }
0x9e: {  	_ =	swait.ge [sflag:s22], s20  }
0x9f: {  	s3 =	ssub.s32 $0x0, s20;
	[sflag:s22] =	ssyncset.done $0x0  }
0xa0: {  	[sflag:s22] =	ssyncadd.s32 s3;
	_ =	sdelay $0x1  }
0xa1: {  	s23 =	simm.s32 $0x1B8B  }
0xa2: {  	_ =	swait.ge [sflag:s23], $0x1  }
0xa3: {  	[sflag:s23] =	ssyncset.done $0x0  }
0xa4: {  	s25 =	simm.s32 $0x1B8E;
	s24 =	sld [smem:$0x3FFE];
	[sflag:s23] =	ssyncadd.s32 $0xFFFFFFFF  }
0xa5: {  	s26 =	simm.s32 $execute0_lowered;
	[smem:$0x3FD2] =	sst s25  }
0xa6: {  	s4 =	sshll.u32 s26, $0x1;
	_ =	strace $0x80000046;
	[dreg:$0x1] =	wrdreg $0xFFFFFFFF  }
0xa7: {  	s28 =	simm.s32 $_size_execute0_lowered;
	s2 =	sadd.s32 s2, s4;
	[dreg:$0x0] =	wrdreg $0x0  }
0xa8: {  	s4 =	sshll.u32 s28, $0x1;
	[dreg:$0x2] =	wrdreg s2  }
0xa9: {  	[dreg:$0x3] =	wrdreg s4  }
0xaa: {  	[dreg:$0x4] =	wrdreg $0xC0  }
0xab: {  	_ =	task [dreg:s6], $0x5FFFF  }
0xac: {  	[dreg:$0x1] =	wrdreg $0xFFFFFFFF  }
0xad: {  	[dreg:$0x0] =	wrdreg $0x60  }
0xae: {  	[dreg:$0x2] =	wrdreg s24  }
0xaf: {  	[dreg:$0x3] =	wrdreg $0x44000  }
0xb0: {  	[dreg:$0x4] =	wrdreg $0x9  }
0xb1: {  	_ =	task.clear_ibuf [dreg:s6], $0x5FFFF;
	_ =	strace $0x90000046  }
0xb2: {  	s29 =	simm.s32 $0x9;
	_ =	strace $0x80000048  }
0xb3: {  	_ =	swait.ge [sflag:s29], $0x1  }
0xb4: {  	[sflag:s29] =	ssyncadd.s32 $0xFFFFFFFF  }
0xb5: {  	_ =	strace $0x90000048  }
0xb6: {  	_ =	sfence  }
0xb7: {  	s30 =	sld [smem:$0x0];
	_ =	sdelay $0x2  }
0xb8: {  	s31 =	sshll.u32 s1, $0xD;
	s1 =	sshrl.u32 s1, $0x2  }
0xb9: {  	s3 =	sand.u32 $0x4000, s31;
	s1 =	sadd.s32 s1, s30  }
0xba: {  	s0 =	sor.u32 s3, s0;
	s1 =	sshll.u32 s1, $0x11  }
0xbb: {  	s0 =	sor.u32 s1, s0  }
0xbc: {  	s0 =	sadd.s32 $0x8F2B, s0  }
0xbd: {  	[sflag:s0] =	ssyncadd.remote.s32 $0x1  }
0xbe: {  	_ =	sfence.sel $0xFFFF  }
0xbf: {  	[dreg:$0x0] =	wrdreg $0xFFFFFFFF;
	(pc) =	sbr.abs _section_cstart, $3  }
0xc0: {  	[dreg:$0x1] =	wrdreg $0xFFFFFFFF  }
0xc1: {  	_ =	task.clear_ibuf [dreg:s6], $0x2FFFF;
	_ =	strace $0x9FFFFFFF  }
0xc2: {  	(tm) =	ssettm $0x7FFFFFFF  }
0xc3: {  	_ =	shalt  }
tec
execute0_lowered:
.L_overlay_start_1:
0x0: {  	(tag) =	ssettag $0x1  }
0x1: {  	s4 =	rddreg [dreg:$0x0]  }
0x2: {  	s2 =	rddreg [dreg:$0x1];
	s3 =	srdreg.scid  }
0x3: {  	s1 =	stileid.u32;
	s0 =	rddreg [dreg:$0x2];
	s10 =	simm.s32 $0x80  }
0x4: {  	s11 =	simm.s32 $0x1400;
	s5 =	sand.u32 $0x1, s3;
	s6 =	smul.u32 $0x2800, s1  }
0x5: {  	s3 =	simm.s32 $0x0;
	s7 =	sshll.u32 s1, $0x1;
	s8 =	smul.u32 $0x28000, s5  }
0x6: {  	s12 =	simm.s32 $0x0;
	[smem:$0x7FF] =	sst s3;
	s7 =	sor.u32 s5, s7  }
0x7: {  	s5 =	ssub.s32 $0x2, s5;
	s7 =	smul.u32 $0x280, s7;
	s8 =	sadd.s32 s6, s8  }
0x8: {  	_ =	strace $0x80000047;
	s9 =	sshrl.u32 s5, $0x1;
	s8 =	sshrl.u32 s8, $0x3  }
0x9: {  	s9 =	ssub.s32 s5, s9;
	s7 =	sadd.s32 s7, s4;
	s8 =	sadd.s32 s8, s4  }
0xa: {  	s4 =	sadd.s32 s6, s2;
	s5 =	sadd.s32 $0x400, s7;
	s7 =	smax.u32 s9, $0x1  }
0xb: {  	v0 =	vimm.f32 $1.000000000e+00;
	v1 =	vimm.f32 $0.0e+00;
	s9 =	simm.s32 $0x1;
	s6 =	sadd.s32 $0x5400, s8;
	s8 =	simm.s32 $0x1C00  }
.LBB2_1:
0xc: {  	s13 =	simm.s32 $0x0  }
.LBB2_2:
0xd: {  	p0 =	sne.s32 s13, $0x1FC0  }
.Ltmp0:
0xe: {  	_ = 	snop;
	(pc) =	sbr.rel @p0 .LBB2_2-.Ltmp0, $3  }
0xf: {  	_ =	sdelay $0x1  }
0x10: {  	s14 =	sshra.s32 s13, $0x2  }
0x11: {  	s13 =	sadd.s32 $0x40, s13;
	[tilespmem:s14+$0x1400] =	vst v0  }
0x12: {  	s13 =	simm.s32 $0x40;
	s14 =	simm.s32 $0x0  }
.LBB2_4:
0x13: {  	p0 =	sne.s32 s13, $0x9FC0;
	[tilespmem:s14+$0x1C00] =	vst v1;
	s14 =	smov.u32 s13;
	s13 =	sadd.s32 $0x40, s13  }
.Ltmp1:
0x14: {  	(pc) =	sbr.rel @p0 .LBB2_4-.Ltmp1, $2  }
0x15: {  	_ =	sdelay $0x2  }
0x16: {  	s14 =	sshra.s32 s14, $0x2  }
0x17: {  	[tilespmem:s14+$0x1C00] =	vst v1  }
0x18: {  	[spmem:s4] =	stream.linear.scatter [tilespmem:s8], [sflag:$0x1], $0x2800, $0x38;
	[tilespmem:$0x6C00] =	vst v63  }
0x19: {  	_ =	swait.ge [sflag:s9], $0x2800  }
0x1a: {  	[sflag:s9] =	ssyncset.done $0x0  }
0x1b: {  	[sflag:s9] =	ssyncadd.s32 $0xFFFFD800  }
0x1c: {  	s13 =	simm.s32 $0x0;
	[bflag:$0x0] =	sbarrier.arrive $0xFFFF  }
0x1d: {  	[tilespmem:s13], [sflag:$0x1] =	stream.linear.gather [hbm4b:s5+s13], $0x1400, $0x38;
	[tilespmem:$0x6C00] =	vst v63  }
0x1e: {  	_ =	swait.ge [sflag:s9], $0x1400  }
0x1f: {  	[sflag:s9] =	ssyncset.done $0x0  }
0x20: {  	s31 =	simm.s32 $0x0;
	[sflag:s9] =	ssyncadd.s32 $0xFFFFEC00  }
0x21: {  	[spmem:s2] =	stream.indirect.scatter.add.f32 [tilespmem:s11], [sflag:$0x1], $0x10, s31, s10, $0xb8;
	[tilespmem:$0x6C00] =	vst v63  }
0x22: {  	_ =	swait.ge [sflag:s9], $0x800  }
0x23: {  	s13 =	simm.s32 $0x200;
	[sflag:s9] =	ssyncset.done $0x0  }
.LBB2_6:
0x24: {  	s14 =	sshra.s32 s13, $0x2;
	[sflag:s9] =	ssyncadd.s32 $0xFFFFF800;
	p0 =	sne.s32 s13, $0x4E00  }
0x25: {  	[spmem:s2] =	stream.indirect.scatter.add.f32 [tilespmem:s11], [sflag:$0x1], $0x10, s14, s10, $0xb8;
	[tilespmem:$0x6C00] =	vst v63  }
.Ltmp2:
0x26: {  	_ = 	snop;
	(pc) =	sbr.rel @p0 .LBB2_6-.Ltmp2, $4  }
0x27: {  	_ = 	snop  }
0x28: {  	s13 =	sadd.s32 $0x200, s13  }
0x29: {  	_ =	swait.ge [sflag:s9], $0x800  }
0x2a: {  	[sflag:s9] =	ssyncset.done $0x0  }
0x2b: {  	[sflag:s9] =	ssyncadd.s32 $0xFFFFF800  }
0x2c: {  	[bflag:$0x0] =	sbarrier.arrive $0xFFFF  }
0x2d: {  	[tilespmem:s8], [sflag:$0x1] =	stream.linear.gather [spmem:s4], $0x2800, $0x38;
	[tilespmem:$0x6C00] =	vst v63  }
0x2e: {  	s12 =	sadd.s32 $0x1, s12;
	_ =	swait.ge [sflag:s9], $0x2800  }
0x2f: {  	p0 =	sne.s32 s12, s7;
	[sflag:s9] =	ssyncset.done $0x0  }
.Ltmp3:
0x30: {  	[sflag:s9] =	ssyncadd.s32 $0xFFFFD800;
	(pc) =	sbr.rel @p0 .LBB2_1-.Ltmp3, $4  }
0x31: {  	[hbm4b:s6+s3] =	stream.linear.scatter [tilespmem:s8], [sflag:$0x1], $0x2800, $0x38;
	[tilespmem:$0x6C00] =	vst v63  }
0x32: {  	_ =	swait.ge [sflag:s9], $0x2800  }
0x33: {  	[sflag:s9] =	ssyncset.done $0x0  }
0x34: {  	[sflag:s9] =	ssyncadd.s32 $0xFFFFD800  }
0x35: {  	_ =	sfence.sel $0x180000  }
0x36: {  	[bflag:$0x0] =	sbarrier.arrive $0xFFFF  }
0x37: {  	p0 =	sne.s32 s1, $0x0;
	_ =	strace $0x90000047  }
0x38: {  	s0 =	sadd.s32 @!p0 $0x100000, s0;
	[bflag:$0x2] =	sbarrier.arrive $0xFFFF  }
0x39: {  	[sflag:s0] =	ssyncadd.tile.s32 @!p0 $0x1;
	_ =	shalt  }
.Lfunc_end2:
_tile_overlayer_lowered:
.L_overlay_start_2:
0x3a: {  	(tag) =	ssettag $0x2  }
0x3b: {  	s0 =	rddreg [dreg:$0x0];
	s2 =	stileid.u32  }
0x3c: {  	s1 =	rddreg [dreg:$0x1];
	p0 =	sne.s32 s2, $0x0  }
0x3d: {  	s3 =	rddreg [dreg:$0x2];
	[bflag:$0x3] =	sbarrier.arrive $0xFFFF;
	s2 =	simm.s32 @!p0 $0x1C01  }
0x3e: {  	[timem:s3], [sflag:s2] =	dma.local @!p0 [hbm:s0], s1  }
0x3f: {  	s0 =	simm.s32 @!p0 $0x1  }
0x40: {  	_ =	swait.ge @!p0 [sflag:s0], s1  }
0x41: {  	s1 =	ssub.s32 @!p0 $0x0, s1;
	[sflag:s0] =	ssyncset.done @!p0 $0x0  }
0x42: {  	[sflag:s0] =	ssyncadd.s32 @!p0 s1  }
0x43: {  	[bflag:$0x3] =	sbarrier.arrive $0xFFFF  }
0x44: {  	_ =	shalt  }

// kernel: kernel.9.cloned.1.call-start
scs
__scs_entry_jumppad:
0x0: {  	(pc) =	sbr.rel $0x88, $3  }
0x1: {  	(tag) =	ssettag $0x0;
	lr =	simm.s32 $0x1  }
0x2: {  	[smem:$0x3F9C] =	sst lr;
	_ =	strace $0xD0000000  }
0x3: {  	_ = 	snop  }
0x4: {  	_ = 	snop  }
0x5: {  	_ = 	snop  }
0x6: {  	_ = 	snop  }
0x7: {  	_ = 	snop  }
__scs_overlays_trampoline_lowered:
0x8: {  	[smem:$0x3FAB] =	sst s0  }
0x9: {  	[smem:$0x3FAC] =	sst s1  }
0xa: {  	[smem:$0x3FAD] =	sst s2  }
0xb: {  	[smem:$0x3FAE] =	sst s3  }
0xc: {  	[smem:$0x3FAF] =	sst s4  }
0xd: {  	[smem:$0x3FB0] =	sst s5  }
0xe: {  	[smem:$0x3FB1] =	sst s6  }
0xf: {  	[smem:$0x3FB2] =	sst s7  }
0x10: {  	[smem:$0x3FB3] =	sst s8  }
0x11: {  	[smem:$0x3FB4] =	sst s9;
	s0 =	simm.s32 @!p0 $0x0  }
0x12: {  	s1 =	sld [smem:$0x3F9A];
	s0 =	simm.s32 @p0 $0x1  }
0x13: {  	[smem:$0x3FB5] =	sst s0;
	s0 =	simm.s32 @!p1 $0x0  }
0x14: {  	s2 =	sld [smem:$0x3F99];
	s0 =	simm.s32 @p1 $0x1  }
0x15: {  	[smem:$0x3FB6] =	sst s0;
	s0 =	simm.s32 @!p2 $0x0  }
0x16: {  	s3 =	sld [smem:$0x3FDB];
	s0 =	simm.s32 @p2 $0x1  }
0x17: {  	s4 =	simm.s32 $0x1BF5;
	[smem:$0x3FB8] =	sst s0  }
0x18: {  	s0 =	sld [smem:$0x3F9B];
	_ =	swait.ge [sflag:s4], $0x0  }
0x19: {  	s7 =	sld [smem:$0x3F9C]  }
0x1a: {  	s8 =	sadd.s32 $0xFFFFE003, lr  }
0x1b: {  	s9 =	sadd.s32 $0xFFFFFEF7, lr;
	s5 =	simm.s32 $0xFFFFFFFF;
	p2 =	slt.u32 s8, $0xFFFFF086  }
0x1c: {  	p1 =	slt.u32 s9, $0xF7A;
	s5 =	simm.s32 @!p2 $0x0  }
0x1d: {  	s5 =	simm.s32 @p1 $0x1;
	p0 =	seq.s32 s7, s2  }
0x1e: {  	s7 =	smul.u32 @!p0 $0xF7A, s2;
	p2 =	seq.s32 @!p0 s5, $0x0  }
0x1f: {  	s9 =	smul.u32 $0xF7A, s1;
	s8 =	simm.s32 @!p0 $0x1BF5;
	p2 =	por !p2, p0  }
0x20: {  	[sflag:s8] =	ssyncset.s32 @!p0 $0xFFFFF086;
	s6 =	sadd.s32 @!p0 s3, s7;
	s7 =	simm.s32 @!p0 $0x108  }
0x21: {  	s3 =	sadd.s32 s3, s9;
	s6 =	sadd.s32 @!p0 $0x88, s6;
	s7 =	simm.s32 @p2 $0x1082  }
0x22: {  	[simem:s7], [sflag:s8] =	dma.local @!p0 [hbm:s6], $0xF7A  }
0x23: {  	s9 =	sor.u32 $0xD0000000, s2;
	s6 =	simm.s32 $0x108;
	_ =	swait.ge @!p0 [sflag:s8], $0x0  }
0x24: {  	s3 =	sadd.s32 $0x88, s3;
	s6 =	simm.s32 @!p1 $0x1082;
	[sflag:s4] =	ssyncset.s32 $0xFFFFF086  }
0x25: {  	[simem:s6], [sflag:s4] =	dma.local [hbm:s3], $0xF7A  }
0x26: {  	[smem:$0x3F9C] =	sst s1;
	(tag) =	ssettag s2;
	_ =	strace s9  }
0x27: {  	s1 =	sld [smem:$0x3FAC]  }
0x28: {  	s2 =	sld [smem:$0x3FAD]  }
0x29: {  	s4 =	sld [smem:$0x3FAF]  }
0x2a: {  	p0 =	seq.s32 s5, $0x0;
	s5 =	sld [smem:$0x3FB0]  }
0x2b: {  	s6 =	sld [smem:$0x3FB1]  }
0x2c: {  	s7 =	sld [smem:$0x3FB2]  }
0x2d: {  	s3 =	simm.s32 $0x108;
	s8 =	sld [smem:$0x3FB3]  }
0x2e: {  	s3 =	simm.s32 @!p0 $0x1082;
	s9 =	sld [smem:$0x3FB4]  }
0x2f: {  	lr =	sadd.s32 s0, s3;
	s0 =	sld [smem:$0x3FAB]  }
0x30: {  	s3 =	sld [smem:$0x3FAE]  }
0x31: {  	[smem:$0x3FB7] =	sst s10  }
0x32: {  	s10 =	sld [smem:$0x3FB5];
	_ =	sdelay $0x3  }
0x33: {  	p0 =	seq.s32 s10, $0x1;
	s10 =	sld [smem:$0x3FB7];
	_ =	sdelay $0x3  }
0x34: {  	[smem:$0x3FB7] =	sst s10  }
0x35: {  	s10 =	sld [smem:$0x3FB6];
	_ =	sdelay $0x3  }
0x36: {  	p1 =	seq.s32 s10, $0x1;
	s10 =	sld [smem:$0x3FB7];
	_ =	sdelay $0x3  }
0x37: {  	[smem:$0x3FB7] =	sst s10  }
0x38: {  	s10 =	sld [smem:$0x3FB8]  }
0x39: {  	_ = 	snop;
	(pc) =	sbr.ind lr, $3  }
0x3a: {  	_ = 	snop  }
0x3b: {  	_ = 	snop  }
0x3c: {  	p2 =	seq.s32 s10, $0x1;
	s10 =	sld [smem:$0x3FB7]  }
0x3d: {  	_ =	shalt  }
0x3e: {  	_ =	shalt  }
0x3f: {  	_ =	shalt  }
0x40: {  	_ =	shalt  }
0x41: {  	_ =	shalt  }
0x42: {  	_ =	shalt  }
0x43: {  	_ =	shalt  }
0x44: {  	_ =	shalt  }
0x45: {  	_ =	shalt  }
0x46: {  	_ =	shalt  }
0x47: {  	_ =	shalt  }
0x48: {  	_ =	shalt  }
0x49: {  	_ =	shalt  }
0x4a: {  	_ =	shalt  }
0x4b: {  	_ =	shalt  }
0x4c: {  	_ =	shalt  }
0x4d: {  	_ =	shalt  }
0x4e: {  	_ =	shalt  }
0x4f: {  	_ =	shalt  }
0x50: {  	_ =	shalt  }
0x51: {  	_ =	shalt  }
0x52: {  	_ =	shalt  }
0x53: {  	_ =	shalt  }
0x54: {  	_ =	shalt  }
0x55: {  	_ =	shalt  }
0x56: {  	_ =	shalt  }
0x57: {  	_ =	shalt  }
0x58: {  	_ =	shalt  }
0x59: {  	_ =	shalt  }
0x5a: {  	_ =	shalt  }
0x5b: {  	_ =	shalt  }
0x5c: {  	_ =	shalt  }
0x5d: {  	_ =	shalt  }
0x5e: {  	_ =	shalt  }
0x5f: {  	_ =	shalt  }
0x60: {  	_ =	shalt  }
0x61: {  	_ =	shalt  }
0x62: {  	_ =	shalt  }
0x63: {  	_ =	shalt  }
0x64: {  	_ =	shalt  }
0x65: {  	_ =	shalt  }
0x66: {  	_ =	shalt  }
0x67: {  	_ =	shalt  }
0x68: {  	_ =	shalt  }
0x69: {  	_ =	shalt  }
0x6a: {  	_ =	shalt  }
0x6b: {  	_ =	shalt  }
0x6c: {  	_ =	shalt  }
0x6d: {  	_ =	shalt  }
0x6e: {  	_ =	shalt  }
0x6f: {  	_ =	shalt  }
0x70: {  	_ =	shalt  }
0x71: {  	_ =	shalt  }
0x72: {  	_ =	shalt  }
0x73: {  	_ =	shalt  }
0x74: {  	_ =	shalt  }
0x75: {  	_ =	shalt  }
0x76: {  	_ =	shalt  }
0x77: {  	_ =	shalt  }
0x78: {  	_ =	shalt  }
0x79: {  	_ =	shalt  }
0x7a: {  	_ =	shalt  }
0x7b: {  	_ =	shalt  }
0x7c: {  	_ =	shalt  }
0x7d: {  	_ =	shalt  }
0x7e: {  	_ =	shalt  }
0x7f: {  	_ =	shalt  }
0x80: {  	_ =	shalt  }
0x81: {  	_ =	shalt  }
0x82: {  	_ =	shalt  }
0x83: {  	_ =	shalt  }
0x84: {  	_ =	shalt  }
0x85: {  	_ =	shalt  }
0x86: {  	_ =	shalt  }
0x87: {  	_ =	shalt  }
.Lfunc_end0:
.L_simem_size_0:
called_computation.1_lowered:
.L_overlay_start_0:
0x88: {  	s2 =	sld [smem:$0x3FD9]  }
0x89: {  	s3 =	sld [smem:$0x3FFE];
	_ =	sdelay $0x1  }
0x8a: {  	s1 =	srdreg.scid  }
0x8b: {  	s0 =	sand.u32 $0x1, s1  }
0x8c: {  	s16 =	sshll.u32 s0, $0xA;
	s2 =	sadd.s32 s3, s2  }
0x8d: {  	s2 =	sadd.s32 s2, s16  }
0x8e: {  	[smem:$0x3FC3] =	sst s2  }
0x8f: {  	_ = 	snop  }
0x90: {  	(tm) =	ssettm $0x1  }
0x91: {  	s17 =	sld [smem:$0x3FFB];
	_ =	sdelay $0x3  }
0x92: {  	_ =	strace s17  }
0x93: {  	s2 =	sld [smem:$0x3FFC];
	_ =	sdelay $0x3  }
0x94: {  	_ =	strace s2  }
0x95: {  	s2 =	sld [smem:$0x3FFD];
	_ =	sdelay $0x3  }
0x96: {  	_ =	strace s2  }
0x97: {  	_ =	strace $0x8FFFFFFF  }
0x98: {  	s18 =	sld [smem:$0x3FDB];
	_ =	sdelay $0x1  }
0x99: {  	s19 =	simm.s32 $_scs_section_size  }
0x9a: {  	s4 =	simm.s32 $_size__tile_overlayer_lowered;
	s5 =	simm.s32 $_tile_overlayer_lowered  }
0x9b: {  	s22 =	simm.s32 $0x1BFF;
	s21 =	sshll.u32 s5, $0x1;
	s2 =	sadd.s32 s19, s18  }
0x9c: {  	s6 =	simm.s32 $0x0;
	s20 =	sshll.u32 s4, $0x1;
	s4 =	sadd.s32 s21, s2  }
0x9d: {  	[timem:s6], [sflag:s22] =	dma.local [hbm:s4], s20  }
0x9e: {  	_ =	swait.ge [sflag:s22], s20  }
0x9f: {  	s3 =	ssub.s32 $0x0, s20;
	[sflag:s22] =	ssyncset.done $0x0  }
0xa0: {  	[sflag:s22] =	ssyncadd.s32 s3;
	_ =	sdelay $0x1  }
0xa1: {  	s23 =	simm.s32 $0x1B8B  }
0xa2: {  	_ =	swait.ge [sflag:s23], $0x1  }
0xa3: {  	[sflag:s23] =	ssyncset.done $0x0  }
0xa4: {  	s25 =	simm.s32 $0x1B8E;
	s24 =	sld [smem:$0x3FFE];
	[sflag:s23] =	ssyncadd.s32 $0xFFFFFFFF  }
0xa5: {  	s26 =	simm.s32 $execute0_lowered;
	[smem:$0x3FD2] =	sst s25  }
0xa6: {  	s4 =	sshll.u32 s26, $0x1;
	_ =	strace $0x80000049;
	[dreg:$0x1] =	wrdreg $0xFFFFFFFF  }
0xa7: {  	s28 =	simm.s32 $_size_execute0_lowered;
	s2 =	sadd.s32 s2, s4;
	[dreg:$0x0] =	wrdreg $0x0  }
0xa8: {  	s4 =	sshll.u32 s28, $0x1;
	[dreg:$0x2] =	wrdreg s2  }
0xa9: {  	[dreg:$0x3] =	wrdreg s4  }
0xaa: {  	[dreg:$0x4] =	wrdreg $0xC0  }
0xab: {  	_ =	task [dreg:s6], $0x5FFFF  }
0xac: {  	[dreg:$0x1] =	wrdreg $0xFFFFFFFF  }
0xad: {  	[dreg:$0x0] =	wrdreg $0x60  }
0xae: {  	[dreg:$0x2] =	wrdreg s24  }
0xaf: {  	[dreg:$0x3] =	wrdreg $0x100000  }
0xb0: {  	[dreg:$0x4] =	wrdreg $0x178000  }
0xb1: {  	[dreg:$0x5] =	wrdreg $0x9  }
0xb2: {  	_ =	task.clear_ibuf [dreg:s6], $0x6FFFF;
	_ =	strace $0x90000049  }
0xb3: {  	s29 =	simm.s32 $0x9;
	_ =	strace $0x8000004B  }
0xb4: {  	_ =	swait.ge [sflag:s29], $0x1  }
0xb5: {  	[sflag:s29] =	ssyncadd.s32 $0xFFFFFFFF  }
0xb6: {  	_ =	strace $0x9000004B  }
0xb7: {  	_ =	sfence  }
0xb8: {  	s30 =	sld [smem:$0x0];
	_ =	sdelay $0x2  }
0xb9: {  	s31 =	sshll.u32 s1, $0xD;
	s1 =	sshrl.u32 s1, $0x2  }
0xba: {  	s3 =	sand.u32 $0x4000, s31;
	s1 =	sadd.s32 s1, s30  }
0xbb: {  	s0 =	sor.u32 s3, s0;
	s1 =	sshll.u32 s1, $0x11  }
0xbc: {  	s0 =	sor.u32 s1, s0  }
0xbd: {  	s0 =	sadd.s32 $0x8F2B, s0  }
0xbe: {  	[sflag:s0] =	ssyncadd.remote.s32 $0x1  }
0xbf: {  	_ =	sfence.sel $0xFFFF  }
0xc0: {  	[dreg:$0x0] =	wrdreg $0xFFFFFFFF;
	(pc) =	sbr.abs _section_cstart, $3  }
0xc1: {  	[dreg:$0x1] =	wrdreg $0xFFFFFFFF  }
0xc2: {  	_ =	task.clear_ibuf [dreg:s6], $0x2FFFF;
	_ =	strace $0x9FFFFFFF  }
0xc3: {  	(tm) =	ssettm $0x7FFFFFFF  }
tec
execute0_lowered:
.L_overlay_start_1:
0x0: {  	(tag) =	ssettag $0x1  }
0x1: {  	s0 =	srdreg.scid;
	s5 =	rddreg [dreg:$0x0]  }
0x2: {  	s4 =	stileid.u32;
	s2 =	rddreg [dreg:$0x1]  }
0x3: {  	s3 =	rddreg [dreg:$0x2];
	s25 =	simm.s32 $0x0;
	s12 =	simm.s32 $0x8800  }
0x4: {  	s13 =	simm.s32 $0x5;
	s14 =	simm.s32 $0x1400;
	s15 =	simm.s32 $0x80  }
0x5: {  	s16 =	simm.s32 $0x2800;
	s17 =	simm.s32 $0x4000;
	s18 =	simm.s32 $0x100  }
0x6: {  	s19 =	simm.s32 $0x5800;
	s20 =	simm.s32 $0x180;
	s21 =	simm.s32 $0x7000  }
0x7: {  	s22 =	simm.s32 $0x1;
	s23 =	simm.s32 $0x2;
	s24 =	simm.s32 $0x3  }
0x8: {  	s28 =	simm.s32 $0x2680;
	s29 =	simm.s32 $0x2700;
	s30 =	simm.s32 $0x2780  }
0x9: {  	s31 =	simm.s32 $0x0;
	s0 =	sand.u32 $0x1, s0;
	s1 =	sshll.u32 s4, $0x1  }
0xa: {  	s7 =	smul.u32 $0x7800, s4;
	[smem:$0x7FF] =	sst s25;
	s25 =	simm.s32 $0x4  }
0xb: {  	s1 =	sor.u32 s0, s1;
	s6 =	smul.u32 $0x78000, s0;
	_ =	strace $0x8000004A  }
0xc: {  	s0 =	ssub.s32 $0x2, s0;
	s1 =	smul.u32 $0x280, s1;
	s8 =	sshrl.u32 s7, $0x3  }
0xd: {  	s26 =	sshrl.u32 s0, $0x1;
	s6 =	sadd.s32 s7, s6;
	s8 =	sadd.s32 s8, s5  }
0xe: {  	s0 =	ssub.s32 s0, s26;
	s26 =	simm.s32 $0x2600;
	s6 =	sshrl.u32 s6, $0x3  }
0xf: {  	s1 =	sadd.s32 s1, s5;
	s11 =	smax.u32 s0, $0x1;
	s10 =	sadd.s32 s6, s5  }
0x10: {  	s5 =	sadd.s32 s7, s2;
	s6 =	sadd.s32 $0x14400, s8;
	s7 =	sadd.s32 s7, s3  }
0x11: {  	v0 =	vimm.f32 $0.0e+00;
	s8 =	sadd.s32 $0xF400, s1;
	s9 =	sadd.s32 $0x400, s1;
	s10 =	sadd.s32 $0x23400, s10  }
.LBB2_1:
0x12: {  	s0 =	simm.s32 $0xC0;
	s1 =	simm.s32 $0x0  }
.LBB2_2:
0x13: {  	p0 =	sne.s32 s0, $0x1DF40;
	[tilespmem:s1+$0x8820] =	vst v0;
	s4 =	smov.u32 s0;
	s0 =	sadd.s32 $0xC0, s0  }
.Ltmp0:
0x14: {  	[tilespmem:s1+$0x8800] =	vst v0;
	(pc) =	sbr.rel @p0 .LBB2_2-.Ltmp0, $2  }
0x15: {  	[tilespmem:s1+$0x8810] =	vst v0;
	_ =	sdelay $0x2  }
0x16: {  	s1 =	sshra.s32 s4, $0x2  }
0x17: {  	[tilespmem:s1+$0x8820] =	vst v0  }
0x18: {  	[tilespmem:s1+$0x8800] =	vst v0  }
0x19: {  	[tilespmem:s1+$0x8810] =	vst v0  }
0x1a: {  	[spmem:s5] =	stream.linear.scatter [tilespmem:s12], [sflag:$0x5], $0x7800, $0x38;
	[tilespmem:$0x1F000] =	vst v63  }
0x1b: {  	_ =	swait.ge [sflag:s13], $0x7800  }
0x1c: {  	[sflag:s13] =	ssyncset.done $0x0  }
0x1d: {  	s0 =	simm.s32 $0x0;
	[sflag:s13] =	ssyncadd.s32 $0xFFFF8800  }
0x1e: {  	[tilespmem:s12], [sflag:$0x5] =	stream.linear.gather [hbm4b:s6+s0], $0x7800, $0x38;
	[tilespmem:$0x1F000] =	vst v63  }
0x1f: {  	_ =	swait.ge [sflag:s13], $0x7800  }
0x20: {  	[sflag:s13] =	ssyncset.done $0x0  }
0x21: {  	[sflag:s13] =	ssyncadd.s32 $0xFFFF8800  }
0x22: {  	[spmem:s7] =	stream.linear.scatter [tilespmem:s12], [sflag:$0x5], $0x7800, $0x38;
	[tilespmem:$0x1F000] =	vst v63  }
0x23: {  	_ =	swait.ge [sflag:s13], $0x7800  }
0x24: {  	[sflag:s13] =	ssyncset.done $0x0  }
0x25: {  	[sflag:s13] =	ssyncadd.s32 $0xFFFF8800  }
0x26: {  	[tilespmem:s0], [sflag:$0x5] =	stream.linear.gather [hbm4b:s8+s0], $0x1400, $0x38;
	[tilespmem:$0x1F000] =	vst v63  }
0x27: {  	_ =	swait.ge [sflag:s13], $0x1400  }
0x28: {  	[sflag:s13] =	ssyncset.done $0x0  }
0x29: {  	[sflag:s13] =	ssyncadd.s32 $0xFFFFEC00  }
0x2a: {  	[tilespmem:s14], [sflag:$0x5] =	stream.linear.gather [hbm4b:s9+s0], $0x1400, $0x38;
	[tilespmem:$0x1F000] =	vst v63  }
0x2b: {  	_ =	swait.ge [sflag:s13], $0x1400  }
0x2c: {  	[sflag:s13] =	ssyncset.done $0x0  }
0x2d: {  	[sflag:s13] =	ssyncadd.s32 $0xFFFFEC00  }
0x2e: {  	[bflag:$0x0] =	sbarrier.arrive $0xFFFF  }
0x2f: {  	[tilespmem:s16], [sflag:$0x1] =	stream.indirect.gather [spmem:s3], $0x30, s0, s15, $0xb8;
	[tilespmem:$0x1F000] =	vst v63  }
0x30: {  	_ = 	snop  }
0x31: {  	[tilespmem:s17], [sflag:$0x2] =	stream.indirect.gather [spmem:s3], $0x30, s15, s15, $0xb8;
	[tilespmem:$0x1F000] =	vst v63  }
0x32: {  	_ = 	snop  }
0x33: {  	[tilespmem:s19], [sflag:$0x3] =	stream.indirect.gather [spmem:s3], $0x30, s18, s15, $0xb8;
	[tilespmem:$0x1F000] =	vst v63  }
0x34: {  	_ = 	snop  }
0x35: {  	[tilespmem:s21], [sflag:$0x4] =	stream.indirect.gather [spmem:s3], $0x30, s20, s15, $0xb8;
	[tilespmem:$0x1F000] =	vst v63  }
0x36: {  	_ =	swait.ge [sflag:s22], $0x1800  }
0x37: {  	[sflag:s22] =	ssyncset.done $0x0  }
0x38: {  	s4 =	simm.s32 $0x1400;
	[sflag:s22] =	ssyncadd.s32 $0xFFFFE800  }
0x39: {  	[spmem:s2] =	stream.indirect.scatter.add.f32 [tilespmem:s16], [sflag:$0x5], $0x30, s4, s15, $0xb8;
	[tilespmem:$0x1F000] =	vst v63  }
0x3a: {  	_ =	swait.ge [sflag:s13], $0x1800  }
0x3b: {  	[sflag:s13] =	ssyncset.done $0x0  }
0x3c: {  	s1 =	simm.s32 $0x200;
	[sflag:s13] =	ssyncadd.s32 $0xFFFFE800  }
0x3d: {  	[tilespmem:s16], [sflag:$0x1] =	stream.indirect.gather [spmem:s3], $0x30, s1, s15, $0xb8;
	[tilespmem:$0x1F000] =	vst v63  }
0x3e: {  	_ =	swait.ge [sflag:s23], $0x1800  }
0x3f: {  	[sflag:s23] =	ssyncset.done $0x0  }
0x40: {  	s4 =	simm.s32 $0x1480;
	[sflag:s23] =	ssyncadd.s32 $0xFFFFE800  }
0x41: {  	[spmem:s2] =	stream.indirect.scatter.add.f32 [tilespmem:s17], [sflag:$0x5], $0x30, s4, s15, $0xb8;
	[tilespmem:$0x1F000] =	vst v63  }
0x42: {  	_ =	swait.ge [sflag:s13], $0x1800  }
0x43: {  	[sflag:s13] =	ssyncset.done $0x0  }
0x44: {  	s1 =	simm.s32 $0x280;
	[sflag:s13] =	ssyncadd.s32 $0xFFFFE800  }
0x45: {  	[tilespmem:s17], [sflag:$0x2] =	stream.indirect.gather [spmem:s3], $0x30, s1, s15, $0xb8;
	[tilespmem:$0x1F000] =	vst v63  }
0x46: {  	_ =	swait.ge [sflag:s24], $0x1800  }
0x47: {  	[sflag:s24] =	ssyncset.done $0x0  }
0x48: {  	s4 =	simm.s32 $0x1500;
	[sflag:s24] =	ssyncadd.s32 $0xFFFFE800  }
0x49: {  	[spmem:s2] =	stream.indirect.scatter.add.f32 [tilespmem:s19], [sflag:$0x5], $0x30, s4, s15, $0xb8;
	[tilespmem:$0x1F000] =	vst v63  }
0x4a: {  	_ =	swait.ge [sflag:s13], $0x1800  }
0x4b: {  	[sflag:s13] =	ssyncset.done $0x0  }
0x4c: {  	s1 =	simm.s32 $0x300;
	[sflag:s13] =	ssyncadd.s32 $0xFFFFE800  }
0x4d: {  	[tilespmem:s19], [sflag:$0x3] =	stream.indirect.gather [spmem:s3], $0x30, s1, s15, $0xb8;
	[tilespmem:$0x1F000] =	vst v63  }
0x4e: {  	_ =	swait.ge [sflag:s25], $0x1800  }
0x4f: {  	[sflag:s25] =	ssyncset.done $0x0  }
0x50: {  	s4 =	simm.s32 $0x1580;
	[sflag:s25] =	ssyncadd.s32 $0xFFFFE800  }
0x51: {  	[spmem:s2] =	stream.indirect.scatter.add.f32 [tilespmem:s21], [sflag:$0x5], $0x30, s4, s15, $0xb8;
	[tilespmem:$0x1F000] =	vst v63  }
0x52: {  	_ =	swait.ge [sflag:s13], $0x1800  }
0x53: {  	[sflag:s13] =	ssyncset.done $0x0  }
0x54: {  	s0 =	simm.s32 $0x380;
	s1 =	simm.s32 $0x800;
	[sflag:s13] =	ssyncadd.s32 $0xFFFFE800  }
.LBB2_4:
0x55: {  	[tilespmem:s21], [sflag:$0x4] =	stream.indirect.gather [spmem:s3], $0x30, s0, s15, $0xb8;
	[tilespmem:$0x1F000] =	vst v63  }
0x56: {  	s0 =	smov.u32 s1  }
0x57: {  	p0 =	sne.s32 s1, $0x4000;
	s1 =	sadd.s32 $0x800, s1;
	_ =	swait.ge [sflag:s22], $0x1800  }
0x58: {  	s0 =	sshra.s32 s0, $0x2;
	[sflag:s22] =	ssyncset.done $0x0  }
0x59: {  	s4 =	sadd.s32 $0x1400, s0;
	[sflag:s22] =	ssyncadd.s32 $0xFFFFE800  }
0x5a: {  	[spmem:s2] =	stream.indirect.scatter.add.f32 [tilespmem:s16], [sflag:$0x5], $0x30, s4, s15, $0xb8;
	[tilespmem:$0x1F000] =	vst v63  }
0x5b: {  	_ =	swait.ge [sflag:s13], $0x1800  }
0x5c: {  	[sflag:s13] =	ssyncset.done $0x0  }
0x5d: {  	s4 =	sadd.s32 $0x200, s0;
	[sflag:s13] =	ssyncadd.s32 $0xFFFFE800  }
0x5e: {  	[tilespmem:s16], [sflag:$0x1] =	stream.indirect.gather [spmem:s3], $0x30, s4, s15, $0xb8;
	[tilespmem:$0x1F000] =	vst v63  }
0x5f: {  	_ =	swait.ge [sflag:s23], $0x1800  }
0x60: {  	[sflag:s23] =	ssyncset.done $0x0  }
0x61: {  	s4 =	sadd.s32 $0x1480, s0;
	[sflag:s23] =	ssyncadd.s32 $0xFFFFE800  }
0x62: {  	[spmem:s2] =	stream.indirect.scatter.add.f32 [tilespmem:s17], [sflag:$0x5], $0x30, s4, s15, $0xb8;
	[tilespmem:$0x1F000] =	vst v63  }
0x63: {  	_ =	swait.ge [sflag:s13], $0x1800  }
0x64: {  	[sflag:s13] =	ssyncset.done $0x0  }
0x65: {  	s4 =	sadd.s32 $0x280, s0;
	[sflag:s13] =	ssyncadd.s32 $0xFFFFE800  }
0x66: {  	[tilespmem:s17], [sflag:$0x2] =	stream.indirect.gather [spmem:s3], $0x30, s4, s15, $0xb8;
	[tilespmem:$0x1F000] =	vst v63  }
0x67: {  	_ =	swait.ge [sflag:s24], $0x1800  }
0x68: {  	[sflag:s24] =	ssyncset.done $0x0  }
0x69: {  	s4 =	sadd.s32 $0x1500, s0;
	[sflag:s24] =	ssyncadd.s32 $0xFFFFE800  }
0x6a: {  	[spmem:s2] =	stream.indirect.scatter.add.f32 [tilespmem:s19], [sflag:$0x5], $0x30, s4, s15, $0xb8;
	[tilespmem:$0x1F000] =	vst v63  }
0x6b: {  	_ =	swait.ge [sflag:s13], $0x1800  }
0x6c: {  	[sflag:s13] =	ssyncset.done $0x0  }
0x6d: {  	s4 =	sadd.s32 $0x300, s0;
	[sflag:s13] =	ssyncadd.s32 $0xFFFFE800  }
0x6e: {  	[tilespmem:s19], [sflag:$0x3] =	stream.indirect.gather [spmem:s3], $0x30, s4, s15, $0xb8;
	[tilespmem:$0x1F000] =	vst v63  }
0x6f: {  	_ =	swait.ge [sflag:s25], $0x1800  }
0x70: {  	[sflag:s25] =	ssyncset.done $0x0  }
.Ltmp1:
0x71: {  	s4 =	sadd.s32 $0x1580, s0;
	[sflag:s25] =	ssyncadd.s32 $0xFFFFE800;
	(pc) =	sbr.rel @p0 .LBB2_4-.Ltmp1, $4  }
0x72: {  	[spmem:s2] =	stream.indirect.scatter.add.f32 [tilespmem:s21], [sflag:$0x5], $0x30, s4, s15, $0xb8;
	[tilespmem:$0x1F000] =	vst v63  }
0x73: {  	_ =	swait.ge [sflag:s13], $0x1800  }
0x74: {  	[sflag:s13] =	ssyncset.done $0x0  }
0x75: {  	s0 =	sadd.s32 $0x380, s0;
	[sflag:s13] =	ssyncadd.s32 $0xFFFFE800  }
0x76: {  	[tilespmem:s21], [sflag:$0x4] =	stream.indirect.gather [spmem:s3], $0x30, s0, s15, $0xb8;
	[tilespmem:$0x1F000] =	vst v63  }
0x77: {  	_ =	swait.ge [sflag:s22], $0x1800  }
0x78: {  	[sflag:s22] =	ssyncset.done $0x0  }
0x79: {  	[sflag:s22] =	ssyncadd.s32 $0xFFFFE800  }
0x7a: {  	[spmem:s2] =	stream.indirect.scatter.add.f32 [tilespmem:s16], [sflag:$0x5], $0x30, s26, s15, $0xb8;
	[tilespmem:$0x1F000] =	vst v63  }
0x7b: {  	_ =	swait.ge [sflag:s13], $0x1800  }
0x7c: {  	[sflag:s13] =	ssyncset.done $0x0  }
0x7d: {  	[sflag:s13] =	ssyncadd.s32 $0xFFFFE800  }
0x7e: {  	_ =	swait.ge [sflag:s23], $0x1800  }
0x7f: {  	[sflag:s23] =	ssyncset.done $0x0  }
0x80: {  	[sflag:s23] =	ssyncadd.s32 $0xFFFFE800  }
0x81: {  	[spmem:s2] =	stream.indirect.scatter.add.f32 [tilespmem:s17], [sflag:$0x5], $0x30, s28, s15, $0xb8;
	[tilespmem:$0x1F000] =	vst v63  }
0x82: {  	_ =	swait.ge [sflag:s13], $0x1800  }
0x83: {  	[sflag:s13] =	ssyncset.done $0x0  }
0x84: {  	[sflag:s13] =	ssyncadd.s32 $0xFFFFE800  }
0x85: {  	_ =	swait.ge [sflag:s24], $0x1800  }
0x86: {  	[sflag:s24] =	ssyncset.done $0x0  }
0x87: {  	[sflag:s24] =	ssyncadd.s32 $0xFFFFE800  }
0x88: {  	[spmem:s2] =	stream.indirect.scatter.add.f32 [tilespmem:s19], [sflag:$0x5], $0x30, s29, s15, $0xb8;
	[tilespmem:$0x1F000] =	vst v63  }
0x89: {  	_ =	swait.ge [sflag:s13], $0x1800  }
0x8a: {  	[sflag:s13] =	ssyncset.done $0x0  }
0x8b: {  	[sflag:s13] =	ssyncadd.s32 $0xFFFFE800  }
0x8c: {  	_ =	swait.ge [sflag:s25], $0x1800  }
0x8d: {  	[sflag:s25] =	ssyncset.done $0x0  }
0x8e: {  	[sflag:s25] =	ssyncadd.s32 $0xFFFFE800  }
0x8f: {  	[spmem:s2] =	stream.indirect.scatter.add.f32 [tilespmem:s21], [sflag:$0x5], $0x30, s30, s15, $0xb8;
	[tilespmem:$0x1F000] =	vst v63  }
0x90: {  	_ =	swait.ge [sflag:s13], $0x1800  }
0x91: {  	[sflag:s13] =	ssyncset.done $0x0  }
0x92: {  	[sflag:s13] =	ssyncadd.s32 $0xFFFFE800  }
0x93: {  	[bflag:$0x0] =	sbarrier.arrive $0xFFFF  }
0x94: {  	[tilespmem:s12], [sflag:$0x5] =	stream.linear.gather [spmem:s5], $0x7800, $0x38;
	[tilespmem:$0x1F000] =	vst v63  }
0x95: {  	s31 =	sadd.s32 $0x1, s31;
	_ =	swait.ge [sflag:s13], $0x7800  }
0x96: {  	p0 =	sne.s32 s31, s11;
	[sflag:s13] =	ssyncset.done $0x0  }
.Ltmp2:
0x97: {  	s4 =	simm.s32 $0x0;
	[sflag:s13] =	ssyncadd.s32 $0xFFFF8800;
	(pc) =	sbr.rel @p0 .LBB2_1-.Ltmp2, $4  }
0x98: {  	[hbm4b:s10+s4] =	stream.linear.scatter [tilespmem:s12], [sflag:$0x5], $0x7800, $0x38;
	[tilespmem:$0x1F000] =	vst v63  }
0x99: {  	_ =	swait.ge [sflag:s13], $0x7800  }
0x9a: {  	[sflag:s13] =	ssyncset.done $0x0  }
0x9b: {  	[sflag:s13] =	ssyncadd.s32 $0xFFFF8800  }
0x9c: {  	_ =	sfence.sel $0x180000  }
0x9d: {  	[bflag:$0x0] =	sbarrier.arrive $0xFFFF  }
0x9e: {  	_ =	strace $0x9000004A  }
0x9f: {  	s0 =	stileid.u32;
	[bflag:$0x2] =	sbarrier.arrive $0xFFFF  }
0xa0: {  	p0 =	sne.s32 s0, $0x0;
	s0 =	rddreg [dreg:$0x3]  }
0xa1: {  	s0 =	sadd.s32 @!p0 $0x100000, s0  }
0xa2: {  	[sflag:s0] =	ssyncadd.tile.s32 @!p0 $0x1;
	_ =	shalt  }
.Lfunc_end2:
_tile_overlayer_lowered:
.L_overlay_start_2:
0xa3: {  	(tag) =	ssettag $0x2  }
0xa4: {  	s0 =	rddreg [dreg:$0x0];
	s2 =	stileid.u32  }
0xa5: {  	s1 =	rddreg [dreg:$0x1];
	p0 =	sne.s32 s2, $0x0  }
0xa6: {  	s3 =	rddreg [dreg:$0x2];
	[bflag:$0x3] =	sbarrier.arrive $0xFFFF;
	s2 =	simm.s32 @!p0 $0x1C05  }
0xa7: {  	[timem:s3], [sflag:s2] =	dma.local @!p0 [hbm:s0], s1  }
0xa8: {  	s0 =	simm.s32 @!p0 $0x5  }
0xa9: {  	_ =	swait.ge @!p0 [sflag:s0], s1  }
0xaa: {  	s1 =	ssub.s32 @!p0 $0x0, s1;
	[sflag:s0] =	ssyncset.done @!p0 $0x0  }
0xab: {  	[sflag:s0] =	ssyncadd.s32 @!p0 s1  }
0xac: {  	[bflag:$0x3] =	sbarrier.arrive $0xFFFF  }
0xad: {  	_ =	shalt  }

</sc_bundles>
